<compile_context>
chip_gen: v7x
topology: tpu7x:2x2x1
jax: 0.10.2.dev20260603
libtpu: 0.0.44.dev20260713+nightly
codegen_flags: <defaults>
</compile_context>

<pallas_src>
import functools

import jax
import jax.numpy as jnp
from jax import lax
from jax.experimental import pallas as pl
from jax.experimental.pallas import tpu as pltpu
from jax.experimental.pallas import tpu_sc as plsc

L = 16
NC, NS = 2, 16
NW = NC * NS
D = 2816
K = 8
NBUF = 4
NACC = 8
CPB = 2


def _make_kernel(B):
    bpw = B // NW
    nchunk = bpw // K
    mesh = plsc.VectorSubcoreMesh(core_axis_name="c", subcore_axis_name="s")

    @functools.partial(
        pl.kernel,
        out_type=jax.ShapeDtypeStruct((NW, L), jnp.float32),
        mesh=mesh,
        scratch_types=[
            pltpu.VMEM((bpw,), jnp.int32),
            *[pltpu.VMEM((K, D), jnp.float32) for _ in range(NBUF)],
            pltpu.VMEM((L,), jnp.float32),
            *[pltpu.SemaphoreType.DMA for _ in range(NBUF)],
        ],
    )
    def body(idx_hbm, table_hbm, out_hbm, idx_v, *rest):
        bufs_only = rest[:NBUF]
        outv = rest[NBUF]
        sems = rest[NBUF + 1 :]
        wid = lax.axis_index("s") * NC + lax.axis_index("c")
        base = wid * bpw
        pltpu.sync_copy(idx_hbm.at[pl.ds(base, bpw)], idx_v)

        bufs = tuple(zip(bufs_only, sems))

        def issue(chunk, buf, sem):
            pltpu.async_copy(
                table_hbm.at[idx_v.at[pl.ds(chunk * K, K)]], buf, sem
            )

        for b, (buf, sem) in enumerate(bufs):
            issue(b, buf, sem)

        def accum(buf, accs):
            def col_body(j, accs):
                new = list(accs)
                for c in range(CPB):
                    for r in range(K):
                        v = buf[r, pl.ds((j * CPB + c) * L, L)]
                        new[r % NACC] = new[r % NACC] + v
                return tuple(new)

            return lax.fori_loop(0, D // (L * CPB), col_body, accs)

        def ring_body(i, accs):
            for b, (buf, sem) in enumerate(bufs):
                pltpu.make_async_copy(
                    table_hbm.at[idx_v.at[pl.ds(0, K)]], buf, sem
                ).wait()
                accs = accum(buf, accs)
                nxt = NBUF * i + b + NBUF

                @pl.when(nxt < nchunk)
                def _():
                    issue(nxt, buf, sem)

            return accs

        accs = tuple(jnp.zeros((L,), jnp.float32) for _ in range(NACC))
        accs = lax.fori_loop(0, nchunk // NBUF, ring_body, accs)
        for b in range(nchunk % NBUF):
            buf, sem = bufs[b]
            pltpu.make_async_copy(
                table_hbm.at[idx_v.at[pl.ds(0, K)]], buf, sem
            ).wait()
            accs = accum(buf, accs)
        total = accs[0]
        for a in accs[1:]:
            total = total + a
        outv[...] = total
        pltpu.sync_copy(outv, out_hbm.at[wid])

    return body


def kernel(x, table):
    idx = jnp.reshape(x, (-1,)).astype(jnp.int32)
    partials = _make_kernel(idx.shape[0])(idx, table)
    return jnp.sum(partials)

# --- scband reference (transcript-rebuilt; emitter-appended) ---
"""Pipeline reference for scband-model-20495583936749 (READ-ONLY COPY).

The authoritative reference and input builder live on the scoring server;
editing this copy changes nothing except your own understanding.
"""

import jax, jax.numpy as jnp
import numpy as np

VOCAB = 500000
EMBED_DIM = 1024 + int(1024 * (7 * 0.25))  # 2816


def setup_inputs(seed: int = 0) -> dict:
    key = jax.random.key(seed)
    k1, k2 = jax.random.split(key)
    x = jax.random.randint(k1, (4096, 26), 0, VOCAB, dtype=jnp.int64 if jax.config.jax_enable_x64 else jnp.int32)
    table = jax.random.normal(k2, (VOCAB, EMBED_DIM), dtype=jnp.float32)
    return {"x": x, "table": table}


def reference(x, table):
    # out = embedding lookup; loss = sum(out)
    out = jnp.take(table, x, axis=0)  # [4096, 26, 2816]
    loss = jnp.sum(out)
    return loss

if __name__ == "__main__":
    import jax
    _d = setup_inputs()
    print(jax.jit(kernel)(*tuple(_d.values())))

</pallas_src>

<mosaic_0001>
#map = affine_map<(d0, d1) -> (0)>
#map1 = affine_map<(d0, d1) -> (0, 0)>
module attributes {stable_mosaic.version = 14 : i64} {
  func.func @body(%arg0: i32, %arg1: i32, %arg2: memref<106496xi32, #tpu.memory_space<hbm>>, %arg3: memref<500000x2816xf32, #tpu.memory_space<hbm>>, %arg4: memref<32x16xf32, #tpu.memory_space<hbm>>, %arg5: memref<3328xi32, #tpu.memory_space<vmem>>, %arg6: memref<8x2816xf32, #tpu.memory_space<vmem>>, %arg7: memref<8x2816xf32, #tpu.memory_space<vmem>>, %arg8: memref<8x2816xf32, #tpu.memory_space<vmem>>, %arg9: memref<8x2816xf32, #tpu.memory_space<vmem>>, %arg10: memref<16xf32, #tpu.memory_space<vmem>>, %arg11: memref<!tpu.dma_semaphore, #tpu.memory_space<semaphore_mem>>, %arg12: memref<!tpu.dma_semaphore, #tpu.memory_space<semaphore_mem>>, %arg13: memref<!tpu.dma_semaphore, #tpu.memory_space<semaphore_mem>>, %arg14: memref<!tpu.dma_semaphore, #tpu.memory_space<semaphore_mem>>) attributes {dimension_semantics = [#tpu.dimension_semantics<core_parallel>, #tpu.dimension_semantics<subcore_parallel>], iteration_bounds = array<i64: 2, 16>, scalar_prefetch = 0 : i64, scratch_operands = 10 : i64, tpu.core_type = #tpu.core_type<sc_vector_subcore>, window_params = [{transform_indices = #map}, {transform_indices = #map1}, {transform_indices = #map1}]} {
    %mul3A = arith.constant 2 : i32
    %mul3A_0 = arith.muli %arg1, %mul3A : i32
    %add3A = arith.addi %mul3A_0, %arg0 : i32
    %mul3A_1 = arith.constant 3328 : i32
    %mul3A_2 = arith.muli %add3A, %mul3A_1 : i32
    "tpu.region"() ({
      %run_scoped3A = tpu.sem_alloc : memref<!tpu.dma_semaphore, #tpu.memory_space<semaphore_mem>>
      %dma_start3A_52 = tpu.memref_slice %arg2[%mul3A_2] : memref<106496xi32, #tpu.memory_space<hbm>> -> memref<3328xi32, #tpu.memory_space<hbm>>
      %dma_start3A_53 = tpu.memref_slice %arg2[%mul3A_2] : memref<106496xi32, #tpu.memory_space<hbm>> -> memref<3328xi32, #tpu.memory_space<hbm>>
      tpu.enqueue_dma source(%dma_start3A_53 : memref<3328xi32, #tpu.memory_space<hbm>>) target(%arg5 : memref<3328xi32, #tpu.memory_space<vmem>>) target_semaphore(%run_scoped3A : memref<!tpu.dma_semaphore, #tpu.memory_space<semaphore_mem>>)
      %dma_wait3A = tpu.memref_slice %arg2[%mul3A_2] : memref<106496xi32, #tpu.memory_space<hbm>> -> memref<3328xi32, #tpu.memory_space<hbm>>
      %dma_wait3A_54 = tpu.memref_slice %arg2[%mul3A_2] : memref<106496xi32, #tpu.memory_space<hbm>> -> memref<3328xi32, #tpu.memory_space<hbm>>
      tpu.wait_dma2 semaphore(%run_scoped3A : memref<!tpu.dma_semaphore, #tpu.memory_space<semaphore_mem>>) src(%dma_wait3A_54 : memref<3328xi32, #tpu.memory_space<hbm>>) dst(%arg5 : memref<3328xi32, #tpu.memory_space<vmem>>)
      tpu.yield
    }) : () -> ()
    %dma_start3A = arith.constant 0 : i32
    %dma_start3A_3 = tpu.memref_slice %arg5[%dma_start3A] : memref<3328xi32, #tpu.memory_space<vmem>> -> memref<8xi32, #tpu.memory_space<vmem>>
    %dma_start3A_4 = arith.constant 0 : i32
    %dma_start3A_5 = arith.constant 0 : i32
    %dma_start3A_6 = tpu.memref_slice %arg3[%dma_start3A_4, %dma_start3A_5] : memref<500000x2816xf32, #tpu.memory_space<hbm>> -> memref<500000x2816xf32, #tpu.memory_space<hbm>>
    tpu.enqueue_indirect_dma source(%dma_start3A_6 : memref<500000x2816xf32, #tpu.memory_space<hbm>>) target(%arg6 : memref<8x2816xf32, #tpu.memory_space<vmem>>) offsets(%dma_start3A_3 : memref<8xi32, #tpu.memory_space<vmem>>) semaphore(%arg11 : memref<!tpu.dma_semaphore, #tpu.memory_space<semaphore_mem>>)
    %dma_start3A_7 = arith.constant 8 : i32
    %dma_start3A_8 = tpu.memref_slice %arg5[%dma_start3A_7] : memref<3328xi32, #tpu.memory_space<vmem>> -> memref<8xi32, #tpu.memory_space<vmem>>
    %dma_start3A_9 = arith.constant 0 : i32
    %dma_start3A_10 = arith.constant 0 : i32
    %dma_start3A_11 = tpu.memref_slice %arg3[%dma_start3A_9, %dma_start3A_10] : memref<500000x2816xf32, #tpu.memory_space<hbm>> -> memref<500000x2816xf32, #tpu.memory_space<hbm>>
    tpu.enqueue_indirect_dma source(%dma_start3A_11 : memref<500000x2816xf32, #tpu.memory_space<hbm>>) target(%arg7 : memref<8x2816xf32, #tpu.memory_space<vmem>>) offsets(%dma_start3A_8 : memref<8xi32, #tpu.memory_space<vmem>>) semaphore(%arg12 : memref<!tpu.dma_semaphore, #tpu.memory_space<semaphore_mem>>)
    %dma_start3A_12 = arith.constant 16 : i32
    %dma_start3A_13 = tpu.memref_slice %arg5[%dma_start3A_12] : memref<3328xi32, #tpu.memory_space<vmem>> -> memref<8xi32, #tpu.memory_space<vmem>>
    %dma_start3A_14 = arith.constant 0 : i32
    %dma_start3A_15 = arith.constant 0 : i32
    %dma_start3A_16 = tpu.memref_slice %arg3[%dma_start3A_14, %dma_start3A_15] : memref<500000x2816xf32, #tpu.memory_space<hbm>> -> memref<500000x2816xf32, #tpu.memory_space<hbm>>
    tpu.enqueue_indirect_dma source(%dma_start3A_16 : memref<500000x2816xf32, #tpu.memory_space<hbm>>) target(%arg8 : memref<8x2816xf32, #tpu.memory_space<vmem>>) offsets(%dma_start3A_13 : memref<8xi32, #tpu.memory_space<vmem>>) semaphore(%arg13 : memref<!tpu.dma_semaphore, #tpu.memory_space<semaphore_mem>>)
    %dma_start3A_17 = arith.constant 24 : i32
    %dma_start3A_18 = tpu.memref_slice %arg5[%dma_start3A_17] : memref<3328xi32, #tpu.memory_space<vmem>> -> memref<8xi32, #tpu.memory_space<vmem>>
    %dma_start3A_19 = arith.constant 0 : i32
    %dma_start3A_20 = arith.constant 0 : i32
    %dma_start3A_21 = tpu.memref_slice %arg3[%dma_start3A_19, %dma_start3A_20] : memref<500000x2816xf32, #tpu.memory_space<hbm>> -> memref<500000x2816xf32, #tpu.memory_space<hbm>>
    tpu.enqueue_indirect_dma source(%dma_start3A_21 : memref<500000x2816xf32, #tpu.memory_space<hbm>>) target(%arg9 : memref<8x2816xf32, #tpu.memory_space<vmem>>) offsets(%dma_start3A_18 : memref<8xi32, #tpu.memory_space<vmem>>) semaphore(%arg14 : memref<!tpu.dma_semaphore, #tpu.memory_space<semaphore_mem>>)
    %broadcast_in_dim3A = arith.constant 0.000000e+00 : f32
    %broadcast_in_dim3A_22 = vector.broadcast %broadcast_in_dim3A : f32 to vector<16xf32>
    %broadcast_in_dim3A_23 = arith.constant 0.000000e+00 : f32
    %broadcast_in_dim3A_24 = vector.broadcast %broadcast_in_dim3A_23 : f32 to vector<16xf32>
    %broadcast_in_dim3A_25 = arith.constant 0.000000e+00 : f32
    %broadcast_in_dim3A_26 = vector.broadcast %broadcast_in_dim3A_25 : f32 to vector<16xf32>
    %broadcast_in_dim3A_27 = arith.constant 0.000000e+00 : f32
    %broadcast_in_dim3A_28 = vector.broadcast %broadcast_in_dim3A_27 : f32 to vector<16xf32>
    %broadcast_in_dim3A_29 = arith.constant 0.000000e+00 : f32
    %broadcast_in_dim3A_30 = vector.broadcast %broadcast_in_dim3A_29 : f32 to vector<16xf32>
    %broadcast_in_dim3A_31 = arith.constant 0.000000e+00 : f32
    %broadcast_in_dim3A_32 = vector.broadcast %broadcast_in_dim3A_31 : f32 to vector<16xf32>
    %broadcast_in_dim3A_33 = arith.constant 0.000000e+00 : f32
    %broadcast_in_dim3A_34 = vector.broadcast %broadcast_in_dim3A_33 : f32 to vector<16xf32>
    %broadcast_in_dim3A_35 = arith.constant 0.000000e+00 : f32
    %broadcast_in_dim3A_36 = vector.broadcast %broadcast_in_dim3A_35 : f32 to vector<16xf32>
    %scan3A = arith.constant 0 : i32
    %scan3A_37 = arith.constant 104 : i32
    %scan3A_38 = arith.addi %scan3A, %scan3A_37 : i32
    %scan3A_39 = arith.constant 1 : i32
    %scan3A_40:8 = scf.for %scan3A_52 = %scan3A to %scan3A_38 step %scan3A_39 iter_args(%scan3A_53 = %broadcast_in_dim3A_22, %scan3A_54 = %broadcast_in_dim3A_24, %scan3A_55 = %broadcast_in_dim3A_26, %scan3A_56 = %broadcast_in_dim3A_28, %scan3A_57 = %broadcast_in_dim3A_30, %scan3A_58 = %broadcast_in_dim3A_32, %scan3A_59 = %broadcast_in_dim3A_34, %scan3A_60 = %broadcast_in_dim3A_36) -> (vector<16xf32>, vector<16xf32>, vector<16xf32>, vector<16xf32>, vector<16xf32>, vector<16xf32>, vector<16xf32>, vector<16xf32>)  : i32 {
      %dma_wait3A = arith.constant 0 : i32
      %dma_wait3A_61 = tpu.memref_slice %arg5[%dma_wait3A] : memref<3328xi32, #tpu.memory_space<vmem>> -> memref<8xi32, #tpu.memory_space<vmem>>
      %dma_wait3A_62 = arith.constant 0 : i32
      %dma_wait3A_63 = arith.constant 0 : i32
      %dma_wait3A_64 = tpu.memref_slice %arg3[%dma_wait3A_62, %dma_wait3A_63] : memref<500000x2816xf32, #tpu.memory_space<hbm>> -> memref<500000x2816xf32, #tpu.memory_space<hbm>>
      tpu.wait_indirect_dma semaphore(%arg11 : memref<!tpu.dma_semaphore, #tpu.memory_space<semaphore_mem>>) src(%dma_wait3A_64 : memref<500000x2816xf32, #tpu.memory_space<hbm>>) dst(%arg6 : memref<8x2816xf32, #tpu.memory_space<vmem>>)
      %scan3A_65 = arith.constant 0 : i32
      %scan3A_66 = arith.constant 88 : i32
      %scan3A_67 = arith.addi %scan3A_65, %scan3A_66 : i32
      %scan3A_68 = arith.constant 1 : i32
      %scan3A_69:8 = scf.for %scan3A_145 = %scan3A_65 to %scan3A_67 step %scan3A_68 iter_args(%scan3A_146 = %scan3A_53, %scan3A_147 = %scan3A_54, %scan3A_148 = %scan3A_55, %scan3A_149 = %scan3A_56, %scan3A_150 = %scan3A_57, %scan3A_151 = %scan3A_58, %scan3A_152 = %scan3A_59, %scan3A_153 = %scan3A_60) -> (vector<16xf32>, vector<16xf32>, vector<16xf32>, vector<16xf32>, vector<16xf32>, vector<16xf32>, vector<16xf32>, vector<16xf32>)  : i32 {
        %mul3A_154 = arith.constant 2 : i32
        %mul3A_155 = arith.muli %scan3A_145, %mul3A_154 : i32
        %add3A_156 = arith.constant 0 : i32
        %add3A_157 = arith.addi %mul3A_155, %add3A_156 : i32
        %mul3A_158 = arith.constant 16 : i32
        %mul3A_159 = arith.muli %add3A_157, %mul3A_158 : i32
        %get3A = arith.constant 0 : i32
        %get3A_160 = arith.index_cast %get3A : i32 to index
        %get3A_161 = arith.index_cast %mul3A_159 : i32 to index
        %get3A_162 = tpu.vector_load %arg6[%get3A_160, %get3A_161] {strides = array<i32>} : memref<8x2816xf32, #tpu.memory_space<vmem>>, vector<1x16xf32>,
        %get3A_163 = vector.shape_cast %get3A_162 : vector<1x16xf32> to vector<16xf32>
        %add3A_164 = arith.addf %scan3A_146, %get3A_163 : vector<16xf32>
        %mul3A_165 = arith.constant 2 : i32
        %mul3A_166 = arith.muli %scan3A_145, %mul3A_165 : i32
        %add3A_167 = arith.constant 0 : i32
        %add3A_168 = arith.addi %mul3A_166, %add3A_167 : i32
        %mul3A_169 = arith.constant 16 : i32
        %mul3A_170 = arith.muli %add3A_168, %mul3A_169 : i32
        %get3A_171 = arith.constant 1 : i32
        %get3A_172 = arith.index_cast %get3A_171 : i32 to index
        %get3A_173 = arith.index_cast %mul3A_170 : i32 to index
        %get3A_174 = tpu.vector_load %arg6[%get3A_172, %get3A_173] {strides = array<i32>} : memref<8x2816xf32, #tpu.memory_space<vmem>>, vector<1x16xf32>,
        %get3A_175 = vector.shape_cast %get3A_174 : vector<1x16xf32> to vector<16xf32>
        %add3A_176 = arith.addf %scan3A_147, %get3A_175 : vector<16xf32>
        %mul3A_177 = arith.constant 2 : i32
        %mul3A_178 = arith.muli %scan3A_145, %mul3A_177 : i32
        %add3A_179 = arith.constant 0 : i32
        %add3A_180 = arith.addi %mul3A_178, %add3A_179 : i32
        %mul3A_181 = arith.constant 16 : i32
        %mul3A_182 = arith.muli %add3A_180, %mul3A_181 : i32
        %get3A_183 = arith.constant 2 : i32
        %get3A_184 = arith.index_cast %get3A_183 : i32 to index
        %get3A_185 = arith.index_cast %mul3A_182 : i32 to index
        %get3A_186 = tpu.vector_load %arg6[%get3A_184, %get3A_185] {strides = array<i32>} : memref<8x2816xf32, #tpu.memory_space<vmem>>, vector<1x16xf32>,
        %get3A_187 = vector.shape_cast %get3A_186 : vector<1x16xf32> to vector<16xf32>
        %add3A_188 = arith.addf %scan3A_148, %get3A_187 : vector<16xf32>
        %mul3A_189 = arith.constant 2 : i32
        %mul3A_190 = arith.muli %scan3A_145, %mul3A_189 : i32
        %add3A_191 = arith.constant 0 : i32
        %add3A_192 = arith.addi %mul3A_190, %add3A_191 : i32
        %mul3A_193 = arith.constant 16 : i32
        %mul3A_194 = arith.muli %add3A_192, %mul3A_193 : i32
        %get3A_195 = arith.constant 3 : i32
        %get3A_196 = arith.index_cast %get3A_195 : i32 to index
        %get3A_197 = arith.index_cast %mul3A_194 : i32 to index
        %get3A_198 = tpu.vector_load %arg6[%get3A_196, %get3A_197] {strides = array<i32>} : memref<8x2816xf32, #tpu.memory_space<vmem>>, vector<1x16xf32>,
        %get3A_199 = vector.shape_cast %get3A_198 : vector<1x16xf32> to vector<16xf32>
        %add3A_200 = arith.addf %scan3A_149, %get3A_199 : vector<16xf32>
        %mul3A_201 = arith.constant 2 : i32
        %mul3A_202 = arith.muli %scan3A_145, %mul3A_201 : i32
        %add3A_203 = arith.constant 0 : i32
        %add3A_204 = arith.addi %mul3A_202, %add3A_203 : i32
        %mul3A_205 = arith.constant 16 : i32
        %mul3A_206 = arith.muli %add3A_204, %mul3A_205 : i32
        %get3A_207 = arith.constant 4 : i32
        %get3A_208 = arith.index_cast %get3A_207 : i32 to index
        %get3A_209 = arith.index_cast %mul3A_206 : i32 to index
        %get3A_210 = tpu.vector_load %arg6[%get3A_208, %get3A_209] {strides = array<i32>} : memref<8x2816xf32, #tpu.memory_space<vmem>>, vector<1x16xf32>,
        %get3A_211 = vector.shape_cast %get3A_210 : vector<1x16xf32> to vector<16xf32>
        %add3A_212 = arith.addf %scan3A_150, %get3A_211 : vector<16xf32>
        %mul3A_213 = arith.constant 2 : i32
        %mul3A_214 = arith.muli %scan3A_145, %mul3A_213 : i32
        %add3A_215 = arith.constant 0 : i32
        %add3A_216 = arith.addi %mul3A_214, %add3A_215 : i32
        %mul3A_217 = arith.constant 16 : i32
        %mul3A_218 = arith.muli %add3A_216, %mul3A_217 : i32
        %get3A_219 = arith.constant 5 : i32
        %get3A_220 = arith.index_cast %get3A_219 : i32 to index
        %get3A_221 = arith.index_cast %mul3A_218 : i32 to index
        %get3A_222 = tpu.vector_load %arg6[%get3A_220, %get3A_221] {strides = array<i32>} : memref<8x2816xf32, #tpu.memory_space<vmem>>, vector<1x16xf32>,
        %get3A_223 = vector.shape_cast %get3A_222 : vector<1x16xf32> to vector<16xf32>
        %add3A_224 = arith.addf %scan3A_151, %get3A_223 : vector<16xf32>
        %mul3A_225 = arith.constant 2 : i32
        %mul3A_226 = arith.muli %scan3A_145, %mul3A_225 : i32
        %add3A_227 = arith.constant 0 : i32
        %add3A_228 = arith.addi %mul3A_226, %add3A_227 : i32
        %mul3A_229 = arith.constant 16 : i32
        %mul3A_230 = arith.muli %add3A_228, %mul3A_229 : i32
        %get3A_231 = arith.constant 6 : i32
        %get3A_232 = arith.index_cast %get3A_231 : i32 to index
        %get3A_233 = arith.index_cast %mul3A_230 : i32 to index
        %get3A_234 = tpu.vector_load %arg6[%get3A_232, %get3A_233] {strides = array<i32>} : memref<8x2816xf32, #tpu.memory_space<vmem>>, vector<1x16xf32>,
        %get3A_235 = vector.shape_cast %get3A_234 : vector<1x16xf32> to vector<16xf32>
        %add3A_236 = arith.addf %scan3A_152, %get3A_235 : vector<16xf32>
        %mul3A_237 = arith.constant 2 : i32
        %mul3A_238 = arith.muli %scan3A_145, %mul3A_237 : i32
        %add3A_239 = arith.constant 0 : i32
        %add3A_240 = arith.addi %mul3A_238, %add3A_239 : i32
        %mul3A_241 = arith.constant 16 : i32
        %mul3A_242 = arith.muli %add3A_240, %mul3A_241 : i32
        %get3A_243 = arith.constant 7 : i32
        %get3A_244 = arith.index_cast %get3A_243 : i32 to index
        %get3A_245 = arith.index_cast %mul3A_242 : i32 to index
        %get3A_246 = tpu.vector_load %arg6[%get3A_244, %get3A_245] {strides = array<i32>} : memref<8x2816xf32, #tpu.memory_space<vmem>>, vector<1x16xf32>,
        %get3A_247 = vector.shape_cast %get3A_246 : vector<1x16xf32> to vector<16xf32>
        %add3A_248 = arith.addf %scan3A_153, %get3A_247 : vector<16xf32>
        %mul3A_249 = arith.constant 2 : i32
        %mul3A_250 = arith.muli %scan3A_145, %mul3A_249 : i32
        %add3A_251 = arith.constant 1 : i32
        %add3A_252 = arith.addi %mul3A_250, %add3A_251 : i32
        %mul3A_253 = arith.constant 16 : i32
        %mul3A_254 = arith.muli %add3A_252, %mul3A_253 : i32
        %get3A_255 = arith.constant 0 : i32
        %get3A_256 = arith.index_cast %get3A_255 : i32 to index
        %get3A_257 = arith.index_cast %mul3A_254 : i32 to index
        %get3A_258 = tpu.vector_load %arg6[%get3A_256, %get3A_257] {strides = array<i32>} : memref<8x2816xf32, #tpu.memory_space<vmem>>, vector<1x16xf32>,
        %get3A_259 = vector.shape_cast %get3A_258 : vector<1x16xf32> to vector<16xf32>
        %add3A_260 = arith.addf %add3A_164, %get3A_259 : vector<16xf32>
        %mul3A_261 = arith.constant 2 : i32
        %mul3A_262 = arith.muli %scan3A_145, %mul3A_261 : i32
        %add3A_263 = arith.constant 1 : i32
        %add3A_264 = arith.addi %mul3A_262, %add3A_263 : i32
        %mul3A_265 = arith.constant 16 : i32
        %mul3A_266 = arith.muli %add3A_264, %mul3A_265 : i32
        %get3A_267 = arith.constant 1 : i32
        %get3A_268 = arith.index_cast %get3A_267 : i32 to index
        %get3A_269 = arith.index_cast %mul3A_266 : i32 to index
        %get3A_270 = tpu.vector_load %arg6[%get3A_268, %get3A_269] {strides = array<i32>} : memref<8x2816xf32, #tpu.memory_space<vmem>>, vector<1x16xf32>,
        %get3A_271 = vector.shape_cast %get3A_270 : vector<1x16xf32> to vector<16xf32>
        %add3A_272 = arith.addf %add3A_176, %get3A_271 : vector<16xf32>
        %mul3A_273 = arith.constant 2 : i32
        %mul3A_274 = arith.muli %scan3A_145, %mul3A_273 : i32
        %add3A_275 = arith.constant 1 : i32
        %add3A_276 = arith.addi %mul3A_274, %add3A_275 : i32
        %mul3A_277 = arith.constant 16 : i32
        %mul3A_278 = arith.muli %add3A_276, %mul3A_277 : i32
        %get3A_279 = arith.constant 2 : i32
        %get3A_280 = arith.index_cast %get3A_279 : i32 to index
        %get3A_281 = arith.index_cast %mul3A_278 : i32 to index
        %get3A_282 = tpu.vector_load %arg6[%get3A_280, %get3A_281] {strides = array<i32>} : memref<8x2816xf32, #tpu.memory_space<vmem>>, vector<1x16xf32>,
        %get3A_283 = vector.shape_cast %get3A_282 : vector<1x16xf32> to vector<16xf32>
        %add3A_284 = arith.addf %add3A_188, %get3A_283 : vector<16xf32>
        %mul3A_285 = arith.constant 2 : i32
        %mul3A_286 = arith.muli %scan3A_145, %mul3A_285 : i32
        %add3A_287 = arith.constant 1 : i32
        %add3A_288 = arith.addi %mul3A_286, %add3A_287 : i32
        %mul3A_289 = arith.constant 16 : i32
        %mul3A_290 = arith.muli %add3A_288, %mul3A_289 : i32
        %get3A_291 = arith.constant 3 : i32
        %get3A_292 = arith.index_cast %get3A_291 : i32 to index
        %get3A_293 = arith.index_cast %mul3A_290 : i32 to index
        %get3A_294 = tpu.vector_load %arg6[%get3A_292, %get3A_293] {strides = array<i32>} : memref<8x2816xf32, #tpu.memory_space<vmem>>, vector<1x16xf32>,
        %get3A_295 = vector.shape_cast %get3A_294 : vector<1x16xf32> to vector<16xf32>
        %add3A_296 = arith.addf %add3A_200, %get3A_295 : vector<16xf32>
        %mul3A_297 = arith.constant 2 : i32
        %mul3A_298 = arith.muli %scan3A_145, %mul3A_297 : i32
        %add3A_299 = arith.constant 1 : i32
        %add3A_300 = arith.addi %mul3A_298, %add3A_299 : i32
        %mul3A_301 = arith.constant 16 : i32
        %mul3A_302 = arith.muli %add3A_300, %mul3A_301 : i32
        %get3A_303 = arith.constant 4 : i32
        %get3A_304 = arith.index_cast %get3A_303 : i32 to index
        %get3A_305 = arith.index_cast %mul3A_302 : i32 to index
        %get3A_306 = tpu.vector_load %arg6[%get3A_304, %get3A_305] {strides = array<i32>} : memref<8x2816xf32, #tpu.memory_space<vmem>>, vector<1x16xf32>,
        %get3A_307 = vector.shape_cast %get3A_306 : vector<1x16xf32> to vector<16xf32>
        %add3A_308 = arith.addf %add3A_212, %get3A_307 : vector<16xf32>
        %mul3A_309 = arith.constant 2 : i32
        %mul3A_310 = arith.muli %scan3A_145, %mul3A_309 : i32
        %add3A_311 = arith.constant 1 : i32
        %add3A_312 = arith.addi %mul3A_310, %add3A_311 : i32
        %mul3A_313 = arith.constant 16 : i32
        %mul3A_314 = arith.muli %add3A_312, %mul3A_313 : i32
        %get3A_315 = arith.constant 5 : i32
        %get3A_316 = arith.index_cast %get3A_315 : i32 to index
        %get3A_317 = arith.index_cast %mul3A_314 : i32 to index
        %get3A_318 = tpu.vector_load %arg6[%get3A_316, %get3A_317] {strides = array<i32>} : memref<8x2816xf32, #tpu.memory_space<vmem>>, vector<1x16xf32>,
        %get3A_319 = vector.shape_cast %get3A_318 : vector<1x16xf32> to vector<16xf32>
        %add3A_320 = arith.addf %add3A_224, %get3A_319 : vector<16xf32>
        %mul3A_321 = arith.constant 2 : i32
        %mul3A_322 = arith.muli %scan3A_145, %mul3A_321 : i32
        %add3A_323 = arith.constant 1 : i32
        %add3A_324 = arith.addi %mul3A_322, %add3A_323 : i32
        %mul3A_325 = arith.constant 16 : i32
        %mul3A_326 = arith.muli %add3A_324, %mul3A_325 : i32
        %get3A_327 = arith.constant 6 : i32
        %get3A_328 = arith.index_cast %get3A_327 : i32 to index
        %get3A_329 = arith.index_cast %mul3A_326 : i32 to index
        %get3A_330 = tpu.vector_load %arg6[%get3A_328, %get3A_329] {strides = array<i32>} : memref<8x2816xf32, #tpu.memory_space<vmem>>, vector<1x16xf32>,
        %get3A_331 = vector.shape_cast %get3A_330 : vector<1x16xf32> to vector<16xf32>
        %add3A_332 = arith.addf %add3A_236, %get3A_331 : vector<16xf32>
        %mul3A_333 = arith.constant 2 : i32
        %mul3A_334 = arith.muli %scan3A_145, %mul3A_333 : i32
        %add3A_335 = arith.constant 1 : i32
        %add3A_336 = arith.addi %mul3A_334, %add3A_335 : i32
        %mul3A_337 = arith.constant 16 : i32
        %mul3A_338 = arith.muli %add3A_336, %mul3A_337 : i32
        %get3A_339 = arith.constant 7 : i32
        %get3A_340 = arith.index_cast %get3A_339 : i32 to index
        %get3A_341 = arith.index_cast %mul3A_338 : i32 to index
        %get3A_342 = tpu.vector_load %arg6[%get3A_340, %get3A_341] {strides = array<i32>} : memref<8x2816xf32, #tpu.memory_space<vmem>>, vector<1x16xf32>,
        %get3A_343 = vector.shape_cast %get3A_342 : vector<1x16xf32> to vector<16xf32>
        %add3A_344 = arith.addf %add3A_248, %get3A_343 : vector<16xf32>
        scf.yield %add3A_260, %add3A_272, %add3A_284, %add3A_296, %add3A_308, %add3A_320, %add3A_332, %add3A_344 : vector<16xf32>, vector<16xf32>, vector<16xf32>, vector<16xf32>, vector<16xf32>, vector<16xf32>, vector<16xf32>, vector<16xf32>
      }
      %scan3A_70 = arith.constant 88 : i32
      %mul3A_71 = arith.constant 4 : i32
      %mul3A_72 = arith.muli %mul3A_71, %scan3A_52 : i32
      %add3A_73 = arith.constant 0 : i32
      %add3A_74 = arith.addi %mul3A_72, %add3A_73 : i32
      %add3A_75 = arith.constant 4 : i32
      %add3A_76 = arith.addi %add3A_74, %add3A_75 : i32
      %lt3A = arith.constant 416 : i32
      %lt3A_77 = arith.cmpi slt, %add3A_76, %lt3A : i32
      %convert_element_type3A = arith.extui %lt3A_77 : i1 to i32
      %cond3A = arith.constant 0 : i32
      %cond3A_78 = arith.cmpi ne, %convert_element_type3A, %cond3A : i32
      scf.if %cond3A_78 {
        %mul3A_145 = arith.constant 8 : i32
        %mul3A_146 = arith.muli %add3A_76, %mul3A_145 : i32
        %dma_start3A_147 = tpu.memref_slice %arg5[%mul3A_146] : memref<3328xi32, #tpu.memory_space<vmem>> -> memref<8xi32, #tpu.memory_space<vmem>>
        %dma_start3A_148 = arith.constant 0 : i32
        %dma_start3A_149 = arith.constant 0 : i32
        %dma_start3A_150 = tpu.memref_slice %arg3[%dma_start3A_148, %dma_start3A_149] : memref<500000x2816xf32, #tpu.memory_space<hbm>> -> memref<500000x2816xf32, #tpu.memory_space<hbm>>
        tpu.enqueue_indirect_dma source(%dma_start3A_150 : memref<500000x2816xf32, #tpu.memory_space<hbm>>) target(%arg6 : memref<8x2816xf32, #tpu.memory_space<vmem>>) offsets(%dma_start3A_147 : memref<8xi32, #tpu.memory_space<vmem>>) semaphore(%arg11 : memref<!tpu.dma_semaphore, #tpu.memory_space<semaphore_mem>>)
      } else {
      }
      %dma_wait3A_79 = arith.constant 0 : i32
      %dma_wait3A_80 = tpu.memref_slice %arg5[%dma_wait3A_79] : memref<3328xi32, #tpu.memory_space<vmem>> -> memref<8xi32, #tpu.memory_space<vmem>>
      %dma_wait3A_81 = arith.constant 0 : i32
      %dma_wait3A_82 = arith.constant 0 : i32
      %dma_wait3A_83 = tpu.memref_slice %arg3[%dma_wait3A_81, %dma_wait3A_82] : memref<500000x2816xf32, #tpu.memory_space<hbm>> -> memref<500000x2816xf32, #tpu.memory_space<hbm>>
      tpu.wait_indirect_dma semaphore(%arg12 : memref<!tpu.dma_semaphore, #tpu.memory_space<semaphore_mem>>) src(%dma_wait3A_83 : memref<500000x2816xf32, #tpu.memory_space<hbm>>) dst(%arg7 : memref<8x2816xf32, #tpu.memory_space<vmem>>)
      %scan3A_84 = arith.constant 0 : i32
      %scan3A_85 = arith.constant 88 : i32
      %scan3A_86 = arith.addi %scan3A_84, %scan3A_85 : i32
      %scan3A_87 = arith.constant 1 : i32
      %scan3A_88:8 = scf.for %scan3A_145 = %scan3A_84 to %scan3A_86 step %scan3A_87 iter_args(%scan3A_146 = %scan3A_69#0, %scan3A_147 = %scan3A_69#1, %scan3A_148 = %scan3A_69#2, %scan3A_149 = %scan3A_69#3, %scan3A_150 = %scan3A_69#4, %scan3A_151 = %scan3A_69#5, %scan3A_152 = %scan3A_69#6, %scan3A_153 = %scan3A_69#7) -> (vector<16xf32>, vector<16xf32>, vector<16xf32>, vector<16xf32>, vector<16xf32>, vector<16xf32>, vector<16xf32>, vector<16xf32>)  : i32 {
        %mul3A_154 = arith.constant 2 : i32
        %mul3A_155 = arith.muli %scan3A_145, %mul3A_154 : i32
        %add3A_156 = arith.constant 0 : i32
        %add3A_157 = arith.addi %mul3A_155, %add3A_156 : i32
        %mul3A_158 = arith.constant 16 : i32
        %mul3A_159 = arith.muli %add3A_157, %mul3A_158 : i32
        %get3A = arith.constant 0 : i32
        %get3A_160 = arith.index_cast %get3A : i32 to index
        %get3A_161 = arith.index_cast %mul3A_159 : i32 to index
        %get3A_162 = tpu.vector_load %arg7[%get3A_160, %get3A_161] {strides = array<i32>} : memref<8x2816xf32, #tpu.memory_space<vmem>>, vector<1x16xf32>,
        %get3A_163 = vector.shape_cast %get3A_162 : vector<1x16xf32> to vector<16xf32>
        %add3A_164 = arith.addf %scan3A_146, %get3A_163 : vector<16xf32>
        %mul3A_165 = arith.constant 2 : i32
        %mul3A_166 = arith.muli %scan3A_145, %mul3A_165 : i32
        %add3A_167 = arith.constant 0 : i32
        %add3A_168 = arith.addi %mul3A_166, %add3A_167 : i32
        %mul3A_169 = arith.constant 16 : i32
        %mul3A_170 = arith.muli %add3A_168, %mul3A_169 : i32
        %get3A_171 = arith.constant 1 : i32
        %get3A_172 = arith.index_cast %get3A_171 : i32 to index
        %get3A_173 = arith.index_cast %mul3A_170 : i32 to index
        %get3A_174 = tpu.vector_load %arg7[%get3A_172, %get3A_173] {strides = array<i32>} : memref<8x2816xf32, #tpu.memory_space<vmem>>, vector<1x16xf32>,
        %get3A_175 = vector.shape_cast %get3A_174 : vector<1x16xf32> to vector<16xf32>
        %add3A_176 = arith.addf %scan3A_147, %get3A_175 : vector<16xf32>
        %mul3A_177 = arith.constant 2 : i32
        %mul3A_178 = arith.muli %scan3A_145, %mul3A_177 : i32
        %add3A_179 = arith.constant 0 : i32
        %add3A_180 = arith.addi %mul3A_178, %add3A_179 : i32
        %mul3A_181 = arith.constant 16 : i32
        %mul3A_182 = arith.muli %add3A_180, %mul3A_181 : i32
        %get3A_183 = arith.constant 2 : i32
        %get3A_184 = arith.index_cast %get3A_183 : i32 to index
        %get3A_185 = arith.index_cast %mul3A_182 : i32 to index
        %get3A_186 = tpu.vector_load %arg7[%get3A_184, %get3A_185] {strides = array<i32>} : memref<8x2816xf32, #tpu.memory_space<vmem>>, vector<1x16xf32>,
        %get3A_187 = vector.shape_cast %get3A_186 : vector<1x16xf32> to vector<16xf32>
        %add3A_188 = arith.addf %scan3A_148, %get3A_187 : vector<16xf32>
        %mul3A_189 = arith.constant 2 : i32
        %mul3A_190 = arith.muli %scan3A_145, %mul3A_189 : i32
        %add3A_191 = arith.constant 0 : i32
        %add3A_192 = arith.addi %mul3A_190, %add3A_191 : i32
        %mul3A_193 = arith.constant 16 : i32
        %mul3A_194 = arith.muli %add3A_192, %mul3A_193 : i32
        %get3A_195 = arith.constant 3 : i32
        %get3A_196 = arith.index_cast %get3A_195 : i32 to index
        %get3A_197 = arith.index_cast %mul3A_194 : i32 to index
        %get3A_198 = tpu.vector_load %arg7[%get3A_196, %get3A_197] {strides = array<i32>} : memref<8x2816xf32, #tpu.memory_space<vmem>>, vector<1x16xf32>,
        %get3A_199 = vector.shape_cast %get3A_198 : vector<1x16xf32> to vector<16xf32>
        %add3A_200 = arith.addf %scan3A_149, %get3A_199 : vector<16xf32>
        %mul3A_201 = arith.constant 2 : i32
        %mul3A_202 = arith.muli %scan3A_145, %mul3A_201 : i32
        %add3A_203 = arith.constant 0 : i32
        %add3A_204 = arith.addi %mul3A_202, %add3A_203 : i32
        %mul3A_205 = arith.constant 16 : i32
        %mul3A_206 = arith.muli %add3A_204, %mul3A_205 : i32
        %get3A_207 = arith.constant 4 : i32
        %get3A_208 = arith.index_cast %get3A_207 : i32 to index
        %get3A_209 = arith.index_cast %mul3A_206 : i32 to index
        %get3A_210 = tpu.vector_load %arg7[%get3A_208, %get3A_209] {strides = array<i32>} : memref<8x2816xf32, #tpu.memory_space<vmem>>, vector<1x16xf32>,
        %get3A_211 = vector.shape_cast %get3A_210 : vector<1x16xf32> to vector<16xf32>
        %add3A_212 = arith.addf %scan3A_150, %get3A_211 : vector<16xf32>
        %mul3A_213 = arith.constant 2 : i32
        %mul3A_214 = arith.muli %scan3A_145, %mul3A_213 : i32
        %add3A_215 = arith.constant 0 : i32
        %add3A_216 = arith.addi %mul3A_214, %add3A_215 : i32
        %mul3A_217 = arith.constant 16 : i32
        %mul3A_218 = arith.muli %add3A_216, %mul3A_217 : i32
        %get3A_219 = arith.constant 5 : i32
        %get3A_220 = arith.index_cast %get3A_219 : i32 to index
        %get3A_221 = arith.index_cast %mul3A_218 : i32 to index
        %get3A_222 = tpu.vector_load %arg7[%get3A_220, %get3A_221] {strides = array<i32>} : memref<8x2816xf32, #tpu.memory_space<vmem>>, vector<1x16xf32>,
        %get3A_223 = vector.shape_cast %get3A_222 : vector<1x16xf32> to vector<16xf32>
        %add3A_224 = arith.addf %scan3A_151, %get3A_223 : vector<16xf32>
        %mul3A_225 = arith.constant 2 : i32
        %mul3A_226 = arith.muli %scan3A_145, %mul3A_225 : i32
        %add3A_227 = arith.constant 0 : i32
        %add3A_228 = arith.addi %mul3A_226, %add3A_227 : i32
        %mul3A_229 = arith.constant 16 : i32
        %mul3A_230 = arith.muli %add3A_228, %mul3A_229 : i32
        %get3A_231 = arith.constant 6 : i32
        %get3A_232 = arith.index_cast %get3A_231 : i32 to index
        %get3A_233 = arith.index_cast %mul3A_230 : i32 to index
        %get3A_234 = tpu.vector_load %arg7[%get3A_232, %get3A_233] {strides = array<i32>} : memref<8x2816xf32, #tpu.memory_space<vmem>>, vector<1x16xf32>,
        %get3A_235 = vector.shape_cast %get3A_234 : vector<1x16xf32> to vector<16xf32>
        %add3A_236 = arith.addf %scan3A_152, %get3A_235 : vector<16xf32>
        %mul3A_237 = arith.constant 2 : i32
        %mul3A_238 = arith.muli %scan3A_145, %mul3A_237 : i32
        %add3A_239 = arith.constant 0 : i32
        %add3A_240 = arith.addi %mul3A_238, %add3A_239 : i32
        %mul3A_241 = arith.constant 16 : i32
        %mul3A_242 = arith.muli %add3A_240, %mul3A_241 : i32
        %get3A_243 = arith.constant 7 : i32
        %get3A_244 = arith.index_cast %get3A_243 : i32 to index
        %get3A_245 = arith.index_cast %mul3A_242 : i32 to index
        %get3A_246 = tpu.vector_load %arg7[%get3A_244, %get3A_245] {strides = array<i32>} : memref<8x2816xf32, #tpu.memory_space<vmem>>, vector<1x16xf32>,
        %get3A_247 = vector.shape_cast %get3A_246 : vector<1x16xf32> to vector<16xf32>
        %add3A_248 = arith.addf %scan3A_153, %get3A_247 : vector<16xf32>
        %mul3A_249 = arith.constant 2 : i32
        %mul3A_250 = arith.muli %scan3A_145, %mul3A_249 : i32
        %add3A_251 = arith.constant 1 : i32
        %add3A_252 = arith.addi %mul3A_250, %add3A_251 : i32
        %mul3A_253 = arith.constant 16 : i32
        %mul3A_254 = arith.muli %add3A_252, %mul3A_253 : i32
        %get3A_255 = arith.constant 0 : i32
        %get3A_256 = arith.index_cast %get3A_255 : i32 to index
        %get3A_257 = arith.index_cast %mul3A_254 : i32 to index
        %get3A_258 = tpu.vector_load %arg7[%get3A_256, %get3A_257] {strides = array<i32>} : memref<8x2816xf32, #tpu.memory_space<vmem>>, vector<1x16xf32>,
        %get3A_259 = vector.shape_cast %get3A_258 : vector<1x16xf32> to vector<16xf32>
        %add3A_260 = arith.addf %add3A_164, %get3A_259 : vector<16xf32>
        %mul3A_261 = arith.constant 2 : i32
        %mul3A_262 = arith.muli %scan3A_145, %mul3A_261 : i32
        %add3A_263 = arith.constant 1 : i32
        %add3A_264 = arith.addi %mul3A_262, %add3A_263 : i32
        %mul3A_265 = arith.constant 16 : i32
        %mul3A_266 = arith.muli %add3A_264, %mul3A_265 : i32
        %get3A_267 = arith.constant 1 : i32
        %get3A_268 = arith.index_cast %get3A_267 : i32 to index
        %get3A_269 = arith.index_cast %mul3A_266 : i32 to index
        %get3A_270 = tpu.vector_load %arg7[%get3A_268, %get3A_269] {strides = array<i32>} : memref<8x2816xf32, #tpu.memory_space<vmem>>, vector<1x16xf32>,
        %get3A_271 = vector.shape_cast %get3A_270 : vector<1x16xf32> to vector<16xf32>
        %add3A_272 = arith.addf %add3A_176, %get3A_271 : vector<16xf32>
        %mul3A_273 = arith.constant 2 : i32
        %mul3A_274 = arith.muli %scan3A_145, %mul3A_273 : i32
        %add3A_275 = arith.constant 1 : i32
        %add3A_276 = arith.addi %mul3A_274, %add3A_275 : i32
        %mul3A_277 = arith.constant 16 : i32
        %mul3A_278 = arith.muli %add3A_276, %mul3A_277 : i32
        %get3A_279 = arith.constant 2 : i32
        %get3A_280 = arith.index_cast %get3A_279 : i32 to index
        %get3A_281 = arith.index_cast %mul3A_278 : i32 to index
        %get3A_282 = tpu.vector_load %arg7[%get3A_280, %get3A_281] {strides = array<i32>} : memref<8x2816xf32, #tpu.memory_space<vmem>>, vector<1x16xf32>,
        %get3A_283 = vector.shape_cast %get3A_282 : vector<1x16xf32> to vector<16xf32>
        %add3A_284 = arith.addf %add3A_188, %get3A_283 : vector<16xf32>
        %mul3A_285 = arith.constant 2 : i32
        %mul3A_286 = arith.muli %scan3A_145, %mul3A_285 : i32
        %add3A_287 = arith.constant 1 : i32
        %add3A_288 = arith.addi %mul3A_286, %add3A_287 : i32
        %mul3A_289 = arith.constant 16 : i32
        %mul3A_290 = arith.muli %add3A_288, %mul3A_289 : i32
        %get3A_291 = arith.constant 3 : i32
        %get3A_292 = arith.index_cast %get3A_291 : i32 to index
        %get3A_293 = arith.index_cast %mul3A_290 : i32 to index
        %get3A_294 = tpu.vector_load %arg7[%get3A_292, %get3A_293] {strides = array<i32>} : memref<8x2816xf32, #tpu.memory_space<vmem>>, vector<1x16xf32>,
        %get3A_295 = vector.shape_cast %get3A_294 : vector<1x16xf32> to vector<16xf32>
        %add3A_296 = arith.addf %add3A_200, %get3A_295 : vector<16xf32>
        %mul3A_297 = arith.constant 2 : i32
        %mul3A_298 = arith.muli %scan3A_145, %mul3A_297 : i32
        %add3A_299 = arith.constant 1 : i32
        %add3A_300 = arith.addi %mul3A_298, %add3A_299 : i32
        %mul3A_301 = arith.constant 16 : i32
        %mul3A_302 = arith.muli %add3A_300, %mul3A_301 : i32
        %get3A_303 = arith.constant 4 : i32
        %get3A_304 = arith.index_cast %get3A_303 : i32 to index
        %get3A_305 = arith.index_cast %mul3A_302 : i32 to index
        %get3A_306 = tpu.vector_load %arg7[%get3A_304, %get3A_305] {strides = array<i32>} : memref<8x2816xf32, #tpu.memory_space<vmem>>, vector<1x16xf32>,
        %get3A_307 = vector.shape_cast %get3A_306 : vector<1x16xf32> to vector<16xf32>
        %add3A_308 = arith.addf %add3A_212, %get3A_307 : vector<16xf32>
        %mul3A_309 = arith.constant 2 : i32
        %mul3A_310 = arith.muli %scan3A_145, %mul3A_309 : i32
        %add3A_311 = arith.constant 1 : i32
        %add3A_312 = arith.addi %mul3A_310, %add3A_311 : i32
        %mul3A_313 = arith.constant 16 : i32
        %mul3A_314 = arith.muli %add3A_312, %mul3A_313 : i32
        %get3A_315 = arith.constant 5 : i32
        %get3A_316 = arith.index_cast %get3A_315 : i32 to index
        %get3A_317 = arith.index_cast %mul3A_314 : i32 to index
        %get3A_318 = tpu.vector_load %arg7[%get3A_316, %get3A_317] {strides = array<i32>} : memref<8x2816xf32, #tpu.memory_space<vmem>>, vector<1x16xf32>,
        %get3A_319 = vector.shape_cast %get3A_318 : vector<1x16xf32> to vector<16xf32>
        %add3A_320 = arith.addf %add3A_224, %get3A_319 : vector<16xf32>
        %mul3A_321 = arith.constant 2 : i32
        %mul3A_322 = arith.muli %scan3A_145, %mul3A_321 : i32
        %add3A_323 = arith.constant 1 : i32
        %add3A_324 = arith.addi %mul3A_322, %add3A_323 : i32
        %mul3A_325 = arith.constant 16 : i32
        %mul3A_326 = arith.muli %add3A_324, %mul3A_325 : i32
        %get3A_327 = arith.constant 6 : i32
        %get3A_328 = arith.index_cast %get3A_327 : i32 to index
        %get3A_329 = arith.index_cast %mul3A_326 : i32 to index
        %get3A_330 = tpu.vector_load %arg7[%get3A_328, %get3A_329] {strides = array<i32>} : memref<8x2816xf32, #tpu.memory_space<vmem>>, vector<1x16xf32>,
        %get3A_331 = vector.shape_cast %get3A_330 : vector<1x16xf32> to vector<16xf32>
        %add3A_332 = arith.addf %add3A_236, %get3A_331 : vector<16xf32>
        %mul3A_333 = arith.constant 2 : i32
        %mul3A_334 = arith.muli %scan3A_145, %mul3A_333 : i32
        %add3A_335 = arith.constant 1 : i32
        %add3A_336 = arith.addi %mul3A_334, %add3A_335 : i32
        %mul3A_337 = arith.constant 16 : i32
        %mul3A_338 = arith.muli %add3A_336, %mul3A_337 : i32
        %get3A_339 = arith.constant 7 : i32
        %get3A_340 = arith.index_cast %get3A_339 : i32 to index
        %get3A_341 = arith.index_cast %mul3A_338 : i32 to index
        %get3A_342 = tpu.vector_load %arg7[%get3A_340, %get3A_341] {strides = array<i32>} : memref<8x2816xf32, #tpu.memory_space<vmem>>, vector<1x16xf32>,
        %get3A_343 = vector.shape_cast %get3A_342 : vector<1x16xf32> to vector<16xf32>
        %add3A_344 = arith.addf %add3A_248, %get3A_343 : vector<16xf32>
        scf.yield %add3A_260, %add3A_272, %add3A_284, %add3A_296, %add3A_308, %add3A_320, %add3A_332, %add3A_344 : vector<16xf32>, vector<16xf32>, vector<16xf32>, vector<16xf32>, vector<16xf32>, vector<16xf32>, vector<16xf32>, vector<16xf32>
      }
      %scan3A_89 = arith.constant 88 : i32
      %mul3A_90 = arith.constant 4 : i32
      %mul3A_91 = arith.muli %mul3A_90, %scan3A_52 : i32
      %add3A_92 = arith.constant 1 : i32
      %add3A_93 = arith.addi %mul3A_91, %add3A_92 : i32
      %add3A_94 = arith.constant 4 : i32
      %add3A_95 = arith.addi %add3A_93, %add3A_94 : i32
      %lt3A_96 = arith.constant 416 : i32
      %lt3A_97 = arith.cmpi slt, %add3A_95, %lt3A_96 : i32
      %convert_element_type3A_98 = arith.extui %lt3A_97 : i1 to i32
      %cond3A_99 = arith.constant 0 : i32
      %cond3A_100 = arith.cmpi ne, %convert_element_type3A_98, %cond3A_99 : i32
      scf.if %cond3A_100 {
        %mul3A_145 = arith.constant 8 : i32
        %mul3A_146 = arith.muli %add3A_95, %mul3A_145 : i32
        %dma_start3A_147 = tpu.memref_slice %arg5[%mul3A_146] : memref<3328xi32, #tpu.memory_space<vmem>> -> memref<8xi32, #tpu.memory_space<vmem>>
        %dma_start3A_148 = arith.constant 0 : i32
        %dma_start3A_149 = arith.constant 0 : i32
        %dma_start3A_150 = tpu.memref_slice %arg3[%dma_start3A_148, %dma_start3A_149] : memref<500000x2816xf32, #tpu.memory_space<hbm>> -> memref<500000x2816xf32, #tpu.memory_space<hbm>>
        tpu.enqueue_indirect_dma source(%dma_start3A_150 : memref<500000x2816xf32, #tpu.memory_space<hbm>>) target(%arg7 : memref<8x2816xf32, #tpu.memory_space<vmem>>) offsets(%dma_start3A_147 : memref<8xi32, #tpu.memory_space<vmem>>) semaphore(%arg12 : memref<!tpu.dma_semaphore, #tpu.memory_space<semaphore_mem>>)
      } else {
      }
      %dma_wait3A_101 = arith.constant 0 : i32
      %dma_wait3A_102 = tpu.memref_slice %arg5[%dma_wait3A_101] : memref<3328xi32, #tpu.memory_space<vmem>> -> memref<8xi32, #tpu.memory_space<vmem>>
      %dma_wait3A_103 = arith.constant 0 : i32
      %dma_wait3A_104 = arith.constant 0 : i32
      %dma_wait3A_105 = tpu.memref_slice %arg3[%dma_wait3A_103, %dma_wait3A_104] : memref<500000x2816xf32, #tpu.memory_space<hbm>> -> memref<500000x2816xf32, #tpu.memory_space<hbm>>
      tpu.wait_indirect_dma semaphore(%arg13 : memref<!tpu.dma_semaphore, #tpu.memory_space<semaphore_mem>>) src(%dma_wait3A_105 : memref<500000x2816xf32, #tpu.memory_space<hbm>>) dst(%arg8 : memref<8x2816xf32, #tpu.memory_space<vmem>>)
      %scan3A_106 = arith.constant 0 : i32
      %scan3A_107 = arith.constant 88 : i32
      %scan3A_108 = arith.addi %scan3A_106, %scan3A_107 : i32
      %scan3A_109 = arith.constant 1 : i32
      %scan3A_110:8 = scf.for %scan3A_145 = %scan3A_106 to %scan3A_108 step %scan3A_109 iter_args(%scan3A_146 = %scan3A_88#0, %scan3A_147 = %scan3A_88#1, %scan3A_148 = %scan3A_88#2, %scan3A_149 = %scan3A_88#3, %scan3A_150 = %scan3A_88#4, %scan3A_151 = %scan3A_88#5, %scan3A_152 = %scan3A_88#6, %scan3A_153 = %scan3A_88#7) -> (vector<16xf32>, vector<16xf32>, vector<16xf32>, vector<16xf32>, vector<16xf32>, vector<16xf32>, vector<16xf32>, vector<16xf32>)  : i32 {
        %mul3A_154 = arith.constant 2 : i32
        %mul3A_155 = arith.muli %scan3A_145, %mul3A_154 : i32
        %add3A_156 = arith.constant 0 : i32
        %add3A_157 = arith.addi %mul3A_155, %add3A_156 : i32
        %mul3A_158 = arith.constant 16 : i32
        %mul3A_159 = arith.muli %add3A_157, %mul3A_158 : i32
        %get3A = arith.constant 0 : i32
        %get3A_160 = arith.index_cast %get3A : i32 to index
        %get3A_161 = arith.index_cast %mul3A_159 : i32 to index
        %get3A_162 = tpu.vector_load %arg8[%get3A_160, %get3A_161] {strides = array<i32>} : memref<8x2816xf32, #tpu.memory_space<vmem>>, vector<1x16xf32>,
        %get3A_163 = vector.shape_cast %get3A_162 : vector<1x16xf32> to vector<16xf32>
        %add3A_164 = arith.addf %scan3A_146, %get3A_163 : vector<16xf32>
        %mul3A_165 = arith.constant 2 : i32
        %mul3A_166 = arith.muli %scan3A_145, %mul3A_165 : i32
        %add3A_167 = arith.constant 0 : i32
        %add3A_168 = arith.addi %mul3A_166, %add3A_167 : i32
        %mul3A_169 = arith.constant 16 : i32
        %mul3A_170 = arith.muli %add3A_168, %mul3A_169 : i32
        %get3A_171 = arith.constant 1 : i32
        %get3A_172 = arith.index_cast %get3A_171 : i32 to index
        %get3A_173 = arith.index_cast %mul3A_170 : i32 to index
        %get3A_174 = tpu.vector_load %arg8[%get3A_172, %get3A_173] {strides = array<i32>} : memref<8x2816xf32, #tpu.memory_space<vmem>>, vector<1x16xf32>,
        %get3A_175 = vector.shape_cast %get3A_174 : vector<1x16xf32> to vector<16xf32>
        %add3A_176 = arith.addf %scan3A_147, %get3A_175 : vector<16xf32>
        %mul3A_177 = arith.constant 2 : i32
        %mul3A_178 = arith.muli %scan3A_145, %mul3A_177 : i32
        %add3A_179 = arith.constant 0 : i32
        %add3A_180 = arith.addi %mul3A_178, %add3A_179 : i32
        %mul3A_181 = arith.constant 16 : i32
        %mul3A_182 = arith.muli %add3A_180, %mul3A_181 : i32
        %get3A_183 = arith.constant 2 : i32
        %get3A_184 = arith.index_cast %get3A_183 : i32 to index
        %get3A_185 = arith.index_cast %mul3A_182 : i32 to index
        %get3A_186 = tpu.vector_load %arg8[%get3A_184, %get3A_185] {strides = array<i32>} : memref<8x2816xf32, #tpu.memory_space<vmem>>, vector<1x16xf32>,
        %get3A_187 = vector.shape_cast %get3A_186 : vector<1x16xf32> to vector<16xf32>
        %add3A_188 = arith.addf %scan3A_148, %get3A_187 : vector<16xf32>
        %mul3A_189 = arith.constant 2 : i32
        %mul3A_190 = arith.muli %scan3A_145, %mul3A_189 : i32
        %add3A_191 = arith.constant 0 : i32
        %add3A_192 = arith.addi %mul3A_190, %add3A_191 : i32
        %mul3A_193 = arith.constant 16 : i32
        %mul3A_194 = arith.muli %add3A_192, %mul3A_193 : i32
        %get3A_195 = arith.constant 3 : i32
        %get3A_196 = arith.index_cast %get3A_195 : i32 to index
        %get3A_197 = arith.index_cast %mul3A_194 : i32 to index
        %get3A_198 = tpu.vector_load %arg8[%get3A_196, %get3A_197] {strides = array<i32>} : memref<8x2816xf32, #tpu.memory_space<vmem>>, vector<1x16xf32>,
        %get3A_199 = vector.shape_cast %get3A_198 : vector<1x16xf32> to vector<16xf32>
        %add3A_200 = arith.addf %scan3A_149, %get3A_199 : vector<16xf32>
        %mul3A_201 = arith.constant 2 : i32
        %mul3A_202 = arith.muli %scan3A_145, %mul3A_201 : i32
        %add3A_203 = arith.constant 0 : i32
        %add3A_204 = arith.addi %mul3A_202, %add3A_203 : i32
        %mul3A_205 = arith.constant 16 : i32
        %mul3A_206 = arith.muli %add3A_204, %mul3A_205 : i32
        %get3A_207 = arith.constant 4 : i32
        %get3A_208 = arith.index_cast %get3A_207 : i32 to index
        %get3A_209 = arith.index_cast %mul3A_206 : i32 to index
        %get3A_210 = tpu.vector_load %arg8[%get3A_208, %get3A_209] {strides = array<i32>} : memref<8x2816xf32, #tpu.memory_space<vmem>>, vector<1x16xf32>,
        %get3A_211 = vector.shape_cast %get3A_210 : vector<1x16xf32> to vector<16xf32>
        %add3A_212 = arith.addf %scan3A_150, %get3A_211 : vector<16xf32>
        %mul3A_213 = arith.constant 2 : i32
        %mul3A_214 = arith.muli %scan3A_145, %mul3A_213 : i32
        %add3A_215 = arith.constant 0 : i32
        %add3A_216 = arith.addi %mul3A_214, %add3A_215 : i32
        %mul3A_217 = arith.constant 16 : i32
        %mul3A_218 = arith.muli %add3A_216, %mul3A_217 : i32
        %get3A_219 = arith.constant 5 : i32
        %get3A_220 = arith.index_cast %get3A_219 : i32 to index
        %get3A_221 = arith.index_cast %mul3A_218 : i32 to index
        %get3A_222 = tpu.vector_load %arg8[%get3A_220, %get3A_221] {strides = array<i32>} : memref<8x2816xf32, #tpu.memory_space<vmem>>, vector<1x16xf32>,
        %get3A_223 = vector.shape_cast %get3A_222 : vector<1x16xf32> to vector<16xf32>
        %add3A_224 = arith.addf %scan3A_151, %get3A_223 : vector<16xf32>
        %mul3A_225 = arith.constant 2 : i32
        %mul3A_226 = arith.muli %scan3A_145, %mul3A_225 : i32
        %add3A_227 = arith.constant 0 : i32
        %add3A_228 = arith.addi %mul3A_226, %add3A_227 : i32
        %mul3A_229 = arith.constant 16 : i32
        %mul3A_230 = arith.muli %add3A_228, %mul3A_229 : i32
        %get3A_231 = arith.constant 6 : i32
        %get3A_232 = arith.index_cast %get3A_231 : i32 to index
        %get3A_233 = arith.index_cast %mul3A_230 : i32 to index
        %get3A_234 = tpu.vector_load %arg8[%get3A_232, %get3A_233] {strides = array<i32>} : memref<8x2816xf32, #tpu.memory_space<vmem>>, vector<1x16xf32>,
        %get3A_235 = vector.shape_cast %get3A_234 : vector<1x16xf32> to vector<16xf32>
        %add3A_236 = arith.addf %scan3A_152, %get3A_235 : vector<16xf32>
        %mul3A_237 = arith.constant 2 : i32
        %mul3A_238 = arith.muli %scan3A_145, %mul3A_237 : i32
        %add3A_239 = arith.constant 0 : i32
        %add3A_240 = arith.addi %mul3A_238, %add3A_239 : i32
        %mul3A_241 = arith.constant 16 : i32
        %mul3A_242 = arith.muli %add3A_240, %mul3A_241 : i32
        %get3A_243 = arith.constant 7 : i32
        %get3A_244 = arith.index_cast %get3A_243 : i32 to index
        %get3A_245 = arith.index_cast %mul3A_242 : i32 to index
        %get3A_246 = tpu.vector_load %arg8[%get3A_244, %get3A_245] {strides = array<i32>} : memref<8x2816xf32, #tpu.memory_space<vmem>>, vector<1x16xf32>,
        %get3A_247 = vector.shape_cast %get3A_246 : vector<1x16xf32> to vector<16xf32>
        %add3A_248 = arith.addf %scan3A_153, %get3A_247 : vector<16xf32>
        %mul3A_249 = arith.constant 2 : i32
        %mul3A_250 = arith.muli %scan3A_145, %mul3A_249 : i32
        %add3A_251 = arith.constant 1 : i32
        %add3A_252 = arith.addi %mul3A_250, %add3A_251 : i32
        %mul3A_253 = arith.constant 16 : i32
        %mul3A_254 = arith.muli %add3A_252, %mul3A_253 : i32
        %get3A_255 = arith.constant 0 : i32
        %get3A_256 = arith.index_cast %get3A_255 : i32 to index
        %get3A_257 = arith.index_cast %mul3A_254 : i32 to index
        %get3A_258 = tpu.vector_load %arg8[%get3A_256, %get3A_257] {strides = array<i32>} : memref<8x2816xf32, #tpu.memory_space<vmem>>, vector<1x16xf32>,
        %get3A_259 = vector.shape_cast %get3A_258 : vector<1x16xf32> to vector<16xf32>
        %add3A_260 = arith.addf %add3A_164, %get3A_259 : vector<16xf32>
        %mul3A_261 = arith.constant 2 : i32
        %mul3A_262 = arith.muli %scan3A_145, %mul3A_261 : i32
        %add3A_263 = arith.constant 1 : i32
        %add3A_264 = arith.addi %mul3A_262, %add3A_263 : i32
        %mul3A_265 = arith.constant 16 : i32
        %mul3A_266 = arith.muli %add3A_264, %mul3A_265 : i32
        %get3A_267 = arith.constant 1 : i32
        %get3A_268 = arith.index_cast %get3A_267 : i32 to index
        %get3A_269 = arith.index_cast %mul3A_266 : i32 to index
        %get3A_270 = tpu.vector_load %arg8[%get3A_268, %get3A_269] {strides = array<i32>} : memref<8x2816xf32, #tpu.memory_space<vmem>>, vector<1x16xf32>,
        %get3A_271 = vector.shape_cast %get3A_270 : vector<1x16xf32> to vector<16xf32>
        %add3A_272 = arith.addf %add3A_176, %get3A_271 : vector<16xf32>
        %mul3A_273 = arith.constant 2 : i32
        %mul3A_274 = arith.muli %scan3A_145, %mul3A_273 : i32
        %add3A_275 = arith.constant 1 : i32
        %add3A_276 = arith.addi %mul3A_274, %add3A_275 : i32
        %mul3A_277 = arith.constant 16 : i32
        %mul3A_278 = arith.muli %add3A_276, %mul3A_277 : i32
        %get3A_279 = arith.constant 2 : i32
        %get3A_280 = arith.index_cast %get3A_279 : i32 to index
        %get3A_281 = arith.index_cast %mul3A_278 : i32 to index
        %get3A_282 = tpu.vector_load %arg8[%get3A_280, %get3A_281] {strides = array<i32>} : memref<8x2816xf32, #tpu.memory_space<vmem>>, vector<1x16xf32>,
        %get3A_283 = vector.shape_cast %get3A_282 : vector<1x16xf32> to vector<16xf32>
        %add3A_284 = arith.addf %add3A_188, %get3A_283 : vector<16xf32>
        %mul3A_285 = arith.constant 2 : i32
        %mul3A_286 = arith.muli %scan3A_145, %mul3A_285 : i32
        %add3A_287 = arith.constant 1 : i32
        %add3A_288 = arith.addi %mul3A_286, %add3A_287 : i32
        %mul3A_289 = arith.constant 16 : i32
        %mul3A_290 = arith.muli %add3A_288, %mul3A_289 : i32
        %get3A_291 = arith.constant 3 : i32
        %get3A_292 = arith.index_cast %get3A_291 : i32 to index
        %get3A_293 = arith.index_cast %mul3A_290 : i32 to index
        %get3A_294 = tpu.vector_load %arg8[%get3A_292, %get3A_293] {strides = array<i32>} : memref<8x2816xf32, #tpu.memory_space<vmem>>, vector<1x16xf32>,
        %get3A_295 = vector.shape_cast %get3A_294 : vector<1x16xf32> to vector<16xf32>
        %add3A_296 = arith.addf %add3A_200, %get3A_295 : vector<16xf32>
        %mul3A_297 = arith.constant 2 : i32
        %mul3A_298 = arith.muli %scan3A_145, %mul3A_297 : i32
        %add3A_299 = arith.constant 1 : i32
        %add3A_300 = arith.addi %mul3A_298, %add3A_299 : i32
        %mul3A_301 = arith.constant 16 : i32
        %mul3A_302 = arith.muli %add3A_300, %mul3A_301 : i32
        %get3A_303 = arith.constant 4 : i32
        %get3A_304 = arith.index_cast %get3A_303 : i32 to index
        %get3A_305 = arith.index_cast %mul3A_302 : i32 to index
        %get3A_306 = tpu.vector_load %arg8[%get3A_304, %get3A_305] {strides = array<i32>} : memref<8x2816xf32, #tpu.memory_space<vmem>>, vector<1x16xf32>,
        %get3A_307 = vector.shape_cast %get3A_306 : vector<1x16xf32> to vector<16xf32>
        %add3A_308 = arith.addf %add3A_212, %get3A_307 : vector<16xf32>
        %mul3A_309 = arith.constant 2 : i32
        %mul3A_310 = arith.muli %scan3A_145, %mul3A_309 : i32
        %add3A_311 = arith.constant 1 : i32
        %add3A_312 = arith.addi %mul3A_310, %add3A_311 : i32
        %mul3A_313 = arith.constant 16 : i32
        %mul3A_314 = arith.muli %add3A_312, %mul3A_313 : i32
        %get3A_315 = arith.constant 5 : i32
        %get3A_316 = arith.index_cast %get3A_315 : i32 to index
        %get3A_317 = arith.index_cast %mul3A_314 : i32 to index
        %get3A_318 = tpu.vector_load %arg8[%get3A_316, %get3A_317] {strides = array<i32>} : memref<8x2816xf32, #tpu.memory_space<vmem>>, vector<1x16xf32>,
        %get3A_319 = vector.shape_cast %get3A_318 : vector<1x16xf32> to vector<16xf32>
        %add3A_320 = arith.addf %add3A_224, %get3A_319 : vector<16xf32>
        %mul3A_321 = arith.constant 2 : i32
        %mul3A_322 = arith.muli %scan3A_145, %mul3A_321 : i32
        %add3A_323 = arith.constant 1 : i32
        %add3A_324 = arith.addi %mul3A_322, %add3A_323 : i32
        %mul3A_325 = arith.constant 16 : i32
        %mul3A_326 = arith.muli %add3A_324, %mul3A_325 : i32
        %get3A_327 = arith.constant 6 : i32
        %get3A_328 = arith.index_cast %get3A_327 : i32 to index
        %get3A_329 = arith.index_cast %mul3A_326 : i32 to index
        %get3A_330 = tpu.vector_load %arg8[%get3A_328, %get3A_329] {strides = array<i32>} : memref<8x2816xf32, #tpu.memory_space<vmem>>, vector<1x16xf32>,
        %get3A_331 = vector.shape_cast %get3A_330 : vector<1x16xf32> to vector<16xf32>
        %add3A_332 = arith.addf %add3A_236, %get3A_331 : vector<16xf32>
        %mul3A_333 = arith.constant 2 : i32
        %mul3A_334 = arith.muli %scan3A_145, %mul3A_333 : i32
        %add3A_335 = arith.constant 1 : i32
        %add3A_336 = arith.addi %mul3A_334, %add3A_335 : i32
        %mul3A_337 = arith.constant 16 : i32
        %mul3A_338 = arith.muli %add3A_336, %mul3A_337 : i32
        %get3A_339 = arith.constant 7 : i32
        %get3A_340 = arith.index_cast %get3A_339 : i32 to index
        %get3A_341 = arith.index_cast %mul3A_338 : i32 to index
        %get3A_342 = tpu.vector_load %arg8[%get3A_340, %get3A_341] {strides = array<i32>} : memref<8x2816xf32, #tpu.memory_space<vmem>>, vector<1x16xf32>,
        %get3A_343 = vector.shape_cast %get3A_342 : vector<1x16xf32> to vector<16xf32>
        %add3A_344 = arith.addf %add3A_248, %get3A_343 : vector<16xf32>
        scf.yield %add3A_260, %add3A_272, %add3A_284, %add3A_296, %add3A_308, %add3A_320, %add3A_332, %add3A_344 : vector<16xf32>, vector<16xf32>, vector<16xf32>, vector<16xf32>, vector<16xf32>, vector<16xf32>, vector<16xf32>, vector<16xf32>
      }
      %scan3A_111 = arith.constant 88 : i32
      %mul3A_112 = arith.constant 4 : i32
      %mul3A_113 = arith.muli %mul3A_112, %scan3A_52 : i32
      %add3A_114 = arith.constant 2 : i32
      %add3A_115 = arith.addi %mul3A_113, %add3A_114 : i32
      %add3A_116 = arith.constant 4 : i32
      %add3A_117 = arith.addi %add3A_115, %add3A_116 : i32
      %lt3A_118 = arith.constant 416 : i32
      %lt3A_119 = arith.cmpi slt, %add3A_117, %lt3A_118 : i32
      %convert_element_type3A_120 = arith.extui %lt3A_119 : i1 to i32
      %cond3A_121 = arith.constant 0 : i32
      %cond3A_122 = arith.cmpi ne, %convert_element_type3A_120, %cond3A_121 : i32
      scf.if %cond3A_122 {
        %mul3A_145 = arith.constant 8 : i32
        %mul3A_146 = arith.muli %add3A_117, %mul3A_145 : i32
        %dma_start3A_147 = tpu.memref_slice %arg5[%mul3A_146] : memref<3328xi32, #tpu.memory_space<vmem>> -> memref<8xi32, #tpu.memory_space<vmem>>
        %dma_start3A_148 = arith.constant 0 : i32
        %dma_start3A_149 = arith.constant 0 : i32
        %dma_start3A_150 = tpu.memref_slice %arg3[%dma_start3A_148, %dma_start3A_149] : memref<500000x2816xf32, #tpu.memory_space<hbm>> -> memref<500000x2816xf32, #tpu.memory_space<hbm>>
        tpu.enqueue_indirect_dma source(%dma_start3A_150 : memref<500000x2816xf32, #tpu.memory_space<hbm>>) target(%arg8 : memref<8x2816xf32, #tpu.memory_space<vmem>>) offsets(%dma_start3A_147 : memref<8xi32, #tpu.memory_space<vmem>>) semaphore(%arg13 : memref<!tpu.dma_semaphore, #tpu.memory_space<semaphore_mem>>)
      } else {
      }
      %dma_wait3A_123 = arith.constant 0 : i32
      %dma_wait3A_124 = tpu.memref_slice %arg5[%dma_wait3A_123] : memref<3328xi32, #tpu.memory_space<vmem>> -> memref<8xi32, #tpu.memory_space<vmem>>
      %dma_wait3A_125 = arith.constant 0 : i32
      %dma_wait3A_126 = arith.constant 0 : i32
      %dma_wait3A_127 = tpu.memref_slice %arg3[%dma_wait3A_125, %dma_wait3A_126] : memref<500000x2816xf32, #tpu.memory_space<hbm>> -> memref<500000x2816xf32, #tpu.memory_space<hbm>>
      tpu.wait_indirect_dma semaphore(%arg14 : memref<!tpu.dma_semaphore, #tpu.memory_space<semaphore_mem>>) src(%dma_wait3A_127 : memref<500000x2816xf32, #tpu.memory_space<hbm>>) dst(%arg9 : memref<8x2816xf32, #tpu.memory_space<vmem>>)
      %scan3A_128 = arith.constant 0 : i32
      %scan3A_129 = arith.constant 88 : i32
      %scan3A_130 = arith.addi %scan3A_128, %scan3A_129 : i32
      %scan3A_131 = arith.constant 1 : i32
      %scan3A_132:8 = scf.for %scan3A_145 = %scan3A_128 to %scan3A_130 step %scan3A_131 iter_args(%scan3A_146 = %scan3A_110#0, %scan3A_147 = %scan3A_110#1, %scan3A_148 = %scan3A_110#2, %scan3A_149 = %scan3A_110#3, %scan3A_150 = %scan3A_110#4, %scan3A_151 = %scan3A_110#5, %scan3A_152 = %scan3A_110#6, %scan3A_153 = %scan3A_110#7) -> (vector<16xf32>, vector<16xf32>, vector<16xf32>, vector<16xf32>, vector<16xf32>, vector<16xf32>, vector<16xf32>, vector<16xf32>)  : i32 {
        %mul3A_154 = arith.constant 2 : i32
        %mul3A_155 = arith.muli %scan3A_145, %mul3A_154 : i32
        %add3A_156 = arith.constant 0 : i32
        %add3A_157 = arith.addi %mul3A_155, %add3A_156 : i32
        %mul3A_158 = arith.constant 16 : i32
        %mul3A_159 = arith.muli %add3A_157, %mul3A_158 : i32
        %get3A = arith.constant 0 : i32
        %get3A_160 = arith.index_cast %get3A : i32 to index
        %get3A_161 = arith.index_cast %mul3A_159 : i32 to index
        %get3A_162 = tpu.vector_load %arg9[%get3A_160, %get3A_161] {strides = array<i32>} : memref<8x2816xf32, #tpu.memory_space<vmem>>, vector<1x16xf32>,
        %get3A_163 = vector.shape_cast %get3A_162 : vector<1x16xf32> to vector<16xf32>
        %add3A_164 = arith.addf %scan3A_146, %get3A_163 : vector<16xf32>
        %mul3A_165 = arith.constant 2 : i32
        %mul3A_166 = arith.muli %scan3A_145, %mul3A_165 : i32
        %add3A_167 = arith.constant 0 : i32
        %add3A_168 = arith.addi %mul3A_166, %add3A_167 : i32
        %mul3A_169 = arith.constant 16 : i32
        %mul3A_170 = arith.muli %add3A_168, %mul3A_169 : i32
        %get3A_171 = arith.constant 1 : i32
        %get3A_172 = arith.index_cast %get3A_171 : i32 to index
        %get3A_173 = arith.index_cast %mul3A_170 : i32 to index
        %get3A_174 = tpu.vector_load %arg9[%get3A_172, %get3A_173] {strides = array<i32>} : memref<8x2816xf32, #tpu.memory_space<vmem>>, vector<1x16xf32>,
        %get3A_175 = vector.shape_cast %get3A_174 : vector<1x16xf32> to vector<16xf32>
        %add3A_176 = arith.addf %scan3A_147, %get3A_175 : vector<16xf32>
        %mul3A_177 = arith.constant 2 : i32
        %mul3A_178 = arith.muli %scan3A_145, %mul3A_177 : i32
        %add3A_179 = arith.constant 0 : i32
        %add3A_180 = arith.addi %mul3A_178, %add3A_179 : i32
        %mul3A_181 = arith.constant 16 : i32
        %mul3A_182 = arith.muli %add3A_180, %mul3A_181 : i32
        %get3A_183 = arith.constant 2 : i32
        %get3A_184 = arith.index_cast %get3A_183 : i32 to index
        %get3A_185 = arith.index_cast %mul3A_182 : i32 to index
        %get3A_186 = tpu.vector_load %arg9[%get3A_184, %get3A_185] {strides = array<i32>} : memref<8x2816xf32, #tpu.memory_space<vmem>>, vector<1x16xf32>,
        %get3A_187 = vector.shape_cast %get3A_186 : vector<1x16xf32> to vector<16xf32>
        %add3A_188 = arith.addf %scan3A_148, %get3A_187 : vector<16xf32>
        %mul3A_189 = arith.constant 2 : i32
        %mul3A_190 = arith.muli %scan3A_145, %mul3A_189 : i32
        %add3A_191 = arith.constant 0 : i32
        %add3A_192 = arith.addi %mul3A_190, %add3A_191 : i32
        %mul3A_193 = arith.constant 16 : i32
        %mul3A_194 = arith.muli %add3A_192, %mul3A_193 : i32
        %get3A_195 = arith.constant 3 : i32
        %get3A_196 = arith.index_cast %get3A_195 : i32 to index
        %get3A_197 = arith.index_cast %mul3A_194 : i32 to index
        %get3A_198 = tpu.vector_load %arg9[%get3A_196, %get3A_197] {strides = array<i32>} : memref<8x2816xf32, #tpu.memory_space<vmem>>, vector<1x16xf32>,
        %get3A_199 = vector.shape_cast %get3A_198 : vector<1x16xf32> to vector<16xf32>
        %add3A_200 = arith.addf %scan3A_149, %get3A_199 : vector<16xf32>
        %mul3A_201 = arith.constant 2 : i32
        %mul3A_202 = arith.muli %scan3A_145, %mul3A_201 : i32
        %add3A_203 = arith.constant 0 : i32
        %add3A_204 = arith.addi %mul3A_202, %add3A_203 : i32
        %mul3A_205 = arith.constant 16 : i32
        %mul3A_206 = arith.muli %add3A_204, %mul3A_205 : i32
        %get3A_207 = arith.constant 4 : i32
        %get3A_208 = arith.index_cast %get3A_207 : i32 to index
        %get3A_209 = arith.index_cast %mul3A_206 : i32 to index
        %get3A_210 = tpu.vector_load %arg9[%get3A_208, %get3A_209] {strides = array<i32>} : memref<8x2816xf32, #tpu.memory_space<vmem>>, vector<1x16xf32>,
        %get3A_211 = vector.shape_cast %get3A_210 : vector<1x16xf32> to vector<16xf32>
        %add3A_212 = arith.addf %scan3A_150, %get3A_211 : vector<16xf32>
        %mul3A_213 = arith.constant 2 : i32
        %mul3A_214 = arith.muli %scan3A_145, %mul3A_213 : i32
        %add3A_215 = arith.constant 0 : i32
        %add3A_216 = arith.addi %mul3A_214, %add3A_215 : i32
        %mul3A_217 = arith.constant 16 : i32
        %mul3A_218 = arith.muli %add3A_216, %mul3A_217 : i32
        %get3A_219 = arith.constant 5 : i32
        %get3A_220 = arith.index_cast %get3A_219 : i32 to index
        %get3A_221 = arith.index_cast %mul3A_218 : i32 to index
        %get3A_222 = tpu.vector_load %arg9[%get3A_220, %get3A_221] {strides = array<i32>} : memref<8x2816xf32, #tpu.memory_space<vmem>>, vector<1x16xf32>,
        %get3A_223 = vector.shape_cast %get3A_222 : vector<1x16xf32> to vector<16xf32>
        %add3A_224 = arith.addf %scan3A_151, %get3A_223 : vector<16xf32>
        %mul3A_225 = arith.constant 2 : i32
        %mul3A_226 = arith.muli %scan3A_145, %mul3A_225 : i32
        %add3A_227 = arith.constant 0 : i32
        %add3A_228 = arith.addi %mul3A_226, %add3A_227 : i32
        %mul3A_229 = arith.constant 16 : i32
        %mul3A_230 = arith.muli %add3A_228, %mul3A_229 : i32
        %get3A_231 = arith.constant 6 : i32
        %get3A_232 = arith.index_cast %get3A_231 : i32 to index
        %get3A_233 = arith.index_cast %mul3A_230 : i32 to index
        %get3A_234 = tpu.vector_load %arg9[%get3A_232, %get3A_233] {strides = array<i32>} : memref<8x2816xf32, #tpu.memory_space<vmem>>, vector<1x16xf32>,
        %get3A_235 = vector.shape_cast %get3A_234 : vector<1x16xf32> to vector<16xf32>
        %add3A_236 = arith.addf %scan3A_152, %get3A_235 : vector<16xf32>
        %mul3A_237 = arith.constant 2 : i32
        %mul3A_238 = arith.muli %scan3A_145, %mul3A_237 : i32
        %add3A_239 = arith.constant 0 : i32
        %add3A_240 = arith.addi %mul3A_238, %add3A_239 : i32
        %mul3A_241 = arith.constant 16 : i32
        %mul3A_242 = arith.muli %add3A_240, %mul3A_241 : i32
        %get3A_243 = arith.constant 7 : i32
        %get3A_244 = arith.index_cast %get3A_243 : i32 to index
        %get3A_245 = arith.index_cast %mul3A_242 : i32 to index
        %get3A_246 = tpu.vector_load %arg9[%get3A_244, %get3A_245] {strides = array<i32>} : memref<8x2816xf32, #tpu.memory_space<vmem>>, vector<1x16xf32>,
        %get3A_247 = vector.shape_cast %get3A_246 : vector<1x16xf32> to vector<16xf32>
        %add3A_248 = arith.addf %scan3A_153, %get3A_247 : vector<16xf32>
        %mul3A_249 = arith.constant 2 : i32
        %mul3A_250 = arith.muli %scan3A_145, %mul3A_249 : i32
        %add3A_251 = arith.constant 1 : i32
        %add3A_252 = arith.addi %mul3A_250, %add3A_251 : i32
        %mul3A_253 = arith.constant 16 : i32
        %mul3A_254 = arith.muli %add3A_252, %mul3A_253 : i32
        %get3A_255 = arith.constant 0 : i32
        %get3A_256 = arith.index_cast %get3A_255 : i32 to index
        %get3A_257 = arith.index_cast %mul3A_254 : i32 to index
        %get3A_258 = tpu.vector_load %arg9[%get3A_256, %get3A_257] {strides = array<i32>} : memref<8x2816xf32, #tpu.memory_space<vmem>>, vector<1x16xf32>,
        %get3A_259 = vector.shape_cast %get3A_258 : vector<1x16xf32> to vector<16xf32>
        %add3A_260 = arith.addf %add3A_164, %get3A_259 : vector<16xf32>
        %mul3A_261 = arith.constant 2 : i32
        %mul3A_262 = arith.muli %scan3A_145, %mul3A_261 : i32
        %add3A_263 = arith.constant 1 : i32
        %add3A_264 = arith.addi %mul3A_262, %add3A_263 : i32
        %mul3A_265 = arith.constant 16 : i32
        %mul3A_266 = arith.muli %add3A_264, %mul3A_265 : i32
        %get3A_267 = arith.constant 1 : i32
        %get3A_268 = arith.index_cast %get3A_267 : i32 to index
        %get3A_269 = arith.index_cast %mul3A_266 : i32 to index
        %get3A_270 = tpu.vector_load %arg9[%get3A_268, %get3A_269] {strides = array<i32>} : memref<8x2816xf32, #tpu.memory_space<vmem>>, vector<1x16xf32>,
        %get3A_271 = vector.shape_cast %get3A_270 : vector<1x16xf32> to vector<16xf32>
        %add3A_272 = arith.addf %add3A_176, %get3A_271 : vector<16xf32>
        %mul3A_273 = arith.constant 2 : i32
        %mul3A_274 = arith.muli %scan3A_145, %mul3A_273 : i32
        %add3A_275 = arith.constant 1 : i32
        %add3A_276 = arith.addi %mul3A_274, %add3A_275 : i32
        %mul3A_277 = arith.constant 16 : i32
        %mul3A_278 = arith.muli %add3A_276, %mul3A_277 : i32
        %get3A_279 = arith.constant 2 : i32
        %get3A_280 = arith.index_cast %get3A_279 : i32 to index
        %get3A_281 = arith.index_cast %mul3A_278 : i32 to index
        %get3A_282 = tpu.vector_load %arg9[%get3A_280, %get3A_281] {strides = array<i32>} : memref<8x2816xf32, #tpu.memory_space<vmem>>, vector<1x16xf32>,
        %get3A_283 = vector.shape_cast %get3A_282 : vector<1x16xf32> to vector<16xf32>
        %add3A_284 = arith.addf %add3A_188, %get3A_283 : vector<16xf32>
        %mul3A_285 = arith.constant 2 : i32
        %mul3A_286 = arith.muli %scan3A_145, %mul3A_285 : i32
        %add3A_287 = arith.constant 1 : i32
        %add3A_288 = arith.addi %mul3A_286, %add3A_287 : i32
        %mul3A_289 = arith.constant 16 : i32
        %mul3A_290 = arith.muli %add3A_288, %mul3A_289 : i32
        %get3A_291 = arith.constant 3 : i32
        %get3A_292 = arith.index_cast %get3A_291 : i32 to index
        %get3A_293 = arith.index_cast %mul3A_290 : i32 to index
        %get3A_294 = tpu.vector_load %arg9[%get3A_292, %get3A_293] {strides = array<i32>} : memref<8x2816xf32, #tpu.memory_space<vmem>>, vector<1x16xf32>,
        %get3A_295 = vector.shape_cast %get3A_294 : vector<1x16xf32> to vector<16xf32>
        %add3A_296 = arith.addf %add3A_200, %get3A_295 : vector<16xf32>
        %mul3A_297 = arith.constant 2 : i32
        %mul3A_298 = arith.muli %scan3A_145, %mul3A_297 : i32
        %add3A_299 = arith.constant 1 : i32
        %add3A_300 = arith.addi %mul3A_298, %add3A_299 : i32
        %mul3A_301 = arith.constant 16 : i32
        %mul3A_302 = arith.muli %add3A_300, %mul3A_301 : i32
        %get3A_303 = arith.constant 4 : i32
        %get3A_304 = arith.index_cast %get3A_303 : i32 to index
        %get3A_305 = arith.index_cast %mul3A_302 : i32 to index
        %get3A_306 = tpu.vector_load %arg9[%get3A_304, %get3A_305] {strides = array<i32>} : memref<8x2816xf32, #tpu.memory_space<vmem>>, vector<1x16xf32>,
        %get3A_307 = vector.shape_cast %get3A_306 : vector<1x16xf32> to vector<16xf32>
        %add3A_308 = arith.addf %add3A_212, %get3A_307 : vector<16xf32>
        %mul3A_309 = arith.constant 2 : i32
        %mul3A_310 = arith.muli %scan3A_145, %mul3A_309 : i32
        %add3A_311 = arith.constant 1 : i32
        %add3A_312 = arith.addi %mul3A_310, %add3A_311 : i32
        %mul3A_313 = arith.constant 16 : i32
        %mul3A_314 = arith.muli %add3A_312, %mul3A_313 : i32
        %get3A_315 = arith.constant 5 : i32
        %get3A_316 = arith.index_cast %get3A_315 : i32 to index
        %get3A_317 = arith.index_cast %mul3A_314 : i32 to index
        %get3A_318 = tpu.vector_load %arg9[%get3A_316, %get3A_317] {strides = array<i32>} : memref<8x2816xf32, #tpu.memory_space<vmem>>, vector<1x16xf32>,
        %get3A_319 = vector.shape_cast %get3A_318 : vector<1x16xf32> to vector<16xf32>
        %add3A_320 = arith.addf %add3A_224, %get3A_319 : vector<16xf32>
        %mul3A_321 = arith.constant 2 : i32
        %mul3A_322 = arith.muli %scan3A_145, %mul3A_321 : i32
        %add3A_323 = arith.constant 1 : i32
        %add3A_324 = arith.addi %mul3A_322, %add3A_323 : i32
        %mul3A_325 = arith.constant 16 : i32
        %mul3A_326 = arith.muli %add3A_324, %mul3A_325 : i32
        %get3A_327 = arith.constant 6 : i32
        %get3A_328 = arith.index_cast %get3A_327 : i32 to index
        %get3A_329 = arith.index_cast %mul3A_326 : i32 to index
        %get3A_330 = tpu.vector_load %arg9[%get3A_328, %get3A_329] {strides = array<i32>} : memref<8x2816xf32, #tpu.memory_space<vmem>>, vector<1x16xf32>,
        %get3A_331 = vector.shape_cast %get3A_330 : vector<1x16xf32> to vector<16xf32>
        %add3A_332 = arith.addf %add3A_236, %get3A_331 : vector<16xf32>
        %mul3A_333 = arith.constant 2 : i32
        %mul3A_334 = arith.muli %scan3A_145, %mul3A_333 : i32
        %add3A_335 = arith.constant 1 : i32
        %add3A_336 = arith.addi %mul3A_334, %add3A_335 : i32
        %mul3A_337 = arith.constant 16 : i32
        %mul3A_338 = arith.muli %add3A_336, %mul3A_337 : i32
        %get3A_339 = arith.constant 7 : i32
        %get3A_340 = arith.index_cast %get3A_339 : i32 to index
        %get3A_341 = arith.index_cast %mul3A_338 : i32 to index
        %get3A_342 = tpu.vector_load %arg9[%get3A_340, %get3A_341] {strides = array<i32>} : memref<8x2816xf32, #tpu.memory_space<vmem>>, vector<1x16xf32>,
        %get3A_343 = vector.shape_cast %get3A_342 : vector<1x16xf32> to vector<16xf32>
        %add3A_344 = arith.addf %add3A_248, %get3A_343 : vector<16xf32>
        scf.yield %add3A_260, %add3A_272, %add3A_284, %add3A_296, %add3A_308, %add3A_320, %add3A_332, %add3A_344 : vector<16xf32>, vector<16xf32>, vector<16xf32>, vector<16xf32>, vector<16xf32>, vector<16xf32>, vector<16xf32>, vector<16xf32>
      }
      %scan3A_133 = arith.constant 88 : i32
      %mul3A_134 = arith.constant 4 : i32
      %mul3A_135 = arith.muli %mul3A_134, %scan3A_52 : i32
      %add3A_136 = arith.constant 3 : i32
      %add3A_137 = arith.addi %mul3A_135, %add3A_136 : i32
      %add3A_138 = arith.constant 4 : i32
      %add3A_139 = arith.addi %add3A_137, %add3A_138 : i32
      %lt3A_140 = arith.constant 416 : i32
      %lt3A_141 = arith.cmpi slt, %add3A_139, %lt3A_140 : i32
      %convert_element_type3A_142 = arith.extui %lt3A_141 : i1 to i32
      %cond3A_143 = arith.constant 0 : i32
      %cond3A_144 = arith.cmpi ne, %convert_element_type3A_142, %cond3A_143 : i32
      scf.if %cond3A_144 {
        %mul3A_145 = arith.constant 8 : i32
        %mul3A_146 = arith.muli %add3A_139, %mul3A_145 : i32
        %dma_start3A_147 = tpu.memref_slice %arg5[%mul3A_146] : memref<3328xi32, #tpu.memory_space<vmem>> -> memref<8xi32, #tpu.memory_space<vmem>>
        %dma_start3A_148 = arith.constant 0 : i32
        %dma_start3A_149 = arith.constant 0 : i32
        %dma_start3A_150 = tpu.memref_slice %arg3[%dma_start3A_148, %dma_start3A_149] : memref<500000x2816xf32, #tpu.memory_space<hbm>> -> memref<500000x2816xf32, #tpu.memory_space<hbm>>
        tpu.enqueue_indirect_dma source(%dma_start3A_150 : memref<500000x2816xf32, #tpu.memory_space<hbm>>) target(%arg9 : memref<8x2816xf32, #tpu.memory_space<vmem>>) offsets(%dma_start3A_147 : memref<8xi32, #tpu.memory_space<vmem>>) semaphore(%arg14 : memref<!tpu.dma_semaphore, #tpu.memory_space<semaphore_mem>>)
      } else {
      }
      scf.yield %scan3A_132#0, %scan3A_132#1, %scan3A_132#2, %scan3A_132#3, %scan3A_132#4, %scan3A_132#5, %scan3A_132#6, %scan3A_132#7 : vector<16xf32>, vector<16xf32>, vector<16xf32>, vector<16xf32>, vector<16xf32>, vector<16xf32>, vector<16xf32>, vector<16xf32>
    }
    %scan3A_41 = arith.constant 104 : i32
    %add3A_42 = arith.addf %scan3A_40#0, %scan3A_40#1 : vector<16xf32>
    %add3A_43 = arith.addf %add3A_42, %scan3A_40#2 : vector<16xf32>
    %add3A_44 = arith.addf %add3A_43, %scan3A_40#3 : vector<16xf32>
    %add3A_45 = arith.addf %add3A_44, %scan3A_40#4 : vector<16xf32>
    %add3A_46 = arith.addf %add3A_45, %scan3A_40#5 : vector<16xf32>
    %add3A_47 = arith.addf %add3A_46, %scan3A_40#6 : vector<16xf32>
    %add3A_48 = arith.addf %add3A_47, %scan3A_40#7 : vector<16xf32>
    %swap3A = arith.constant 0 : index
    %swap3A_49 = tpu.vector_load %arg10[%swap3A] {strides = array<i32>} : memref<16xf32, #tpu.memory_space<vmem>>, vector<16xf32>,
    %swap3A_50 = vector.shape_cast %swap3A_49 : vector<16xf32> to vector<16xf32>
    %swap3A_51 = vector.shape_cast %add3A_48 : vector<16xf32> to vector<16xf32>
    tpu.vector_store %arg10[%swap3A], %swap3A_51 {strides = array<i32>} : memref<16xf32, #tpu.memory_space<vmem>>, vector<16xf32>,
    "tpu.region"() ({
      %run_scoped3A = tpu.sem_alloc : memref<!tpu.dma_semaphore, #tpu.memory_space<semaphore_mem>>
      %dma_start3A_52 = arith.constant 0 : i32
      %dma_start3A_53 = tpu.memref_slice %arg4[%add3A, %dma_start3A_52] : memref<32x16xf32, #tpu.memory_space<hbm>> -> memref<1x16xf32, #tpu.memory_space<hbm>>
      %dma_start3A_54 = tpu.memref_squeeze %dma_start3A_53 : memref<1x16xf32, #tpu.memory_space<hbm>> -> memref<16xf32, #tpu.memory_space<hbm>>
      %dma_start3A_55 = arith.constant 0 : i32
      %dma_start3A_56 = tpu.memref_slice %arg4[%add3A, %dma_start3A_55] : memref<32x16xf32, #tpu.memory_space<hbm>> -> memref<1x16xf32, #tpu.memory_space<hbm>>
      %dma_start3A_57 = tpu.memref_squeeze %dma_start3A_56 : memref<1x16xf32, #tpu.memory_space<hbm>> -> memref<16xf32, #tpu.memory_space<hbm>>
      tpu.enqueue_dma source(%arg10 : memref<16xf32, #tpu.memory_space<vmem>>) target(%dma_start3A_57 : memref<16xf32, #tpu.memory_space<hbm>>) target_semaphore(%run_scoped3A : memref<!tpu.dma_semaphore, #tpu.memory_space<semaphore_mem>>)
      %dma_wait3A = arith.constant 0 : i32
      %dma_wait3A_58 = tpu.memref_slice %arg4[%add3A, %dma_wait3A] : memref<32x16xf32, #tpu.memory_space<hbm>> -> memref<1x16xf32, #tpu.memory_space<hbm>>
      %dma_wait3A_59 = tpu.memref_squeeze %dma_wait3A_58 : memref<1x16xf32, #tpu.memory_space<hbm>> -> memref<16xf32, #tpu.memory_space<hbm>>
      %dma_wait3A_60 = arith.constant 0 : i32
      %dma_wait3A_61 = tpu.memref_slice %arg4[%add3A, %dma_wait3A_60] : memref<32x16xf32, #tpu.memory_space<hbm>> -> memref<1x16xf32, #tpu.memory_space<hbm>>
      %dma_wait3A_62 = tpu.memref_squeeze %dma_wait3A_61 : memref<1x16xf32, #tpu.memory_space<hbm>> -> memref<16xf32, #tpu.memory_space<hbm>>
      tpu.wait_dma2 semaphore(%run_scoped3A : memref<!tpu.dma_semaphore, #tpu.memory_space<semaphore_mem>>) src(%arg10 : memref<16xf32, #tpu.memory_space<vmem>>) dst(%dma_wait3A_62 : memref<16xf32, #tpu.memory_space<hbm>>)
      tpu.yield
    }) : () -> ()
    return
  }
}

</mosaic_0001>

<sc_bundles>
// kernel: kernel.3.cloned.1.call-start
scs
__scs_entry_jumppad:
0x0: {  	(pc) =	sbr.rel $0x88, $3  }
0x1: {  	(tag) =	ssettag $0x0;
	lr =	simm.s32 $0x1  }
0x2: {  	[smem:$0x3F9F] =	sst lr;
	_ =	strace $0xD0000000  }
0x3: {  	_ = 	snop  }
0x4: {  	_ = 	snop  }
0x5: {  	_ = 	snop  }
0x6: {  	_ = 	snop  }
0x7: {  	_ = 	snop  }
__scs_overlays_trampoline_lowered:
0x8: {  	[smem:$0x3FAE] =	sst s0  }
0x9: {  	[smem:$0x3FAF] =	sst s1  }
0xa: {  	[smem:$0x3FB0] =	sst s2  }
0xb: {  	[smem:$0x3FB1] =	sst s3  }
0xc: {  	[smem:$0x3FB2] =	sst s4  }
0xd: {  	[smem:$0x3FB3] =	sst s5  }
0xe: {  	[smem:$0x3FB4] =	sst s6  }
0xf: {  	[smem:$0x3FB5] =	sst s7  }
0x10: {  	[smem:$0x3FB6] =	sst s8  }
0x11: {  	[smem:$0x3FB7] =	sst s9;
	s0 =	simm.s32 @!p0 $0x0  }
0x12: {  	s1 =	sld [smem:$0x3F9D];
	s0 =	simm.s32 @p0 $0x1  }
0x13: {  	[smem:$0x3FB8] =	sst s0;
	s0 =	simm.s32 @!p1 $0x0  }
0x14: {  	s2 =	sld [smem:$0x3F9C];
	s0 =	simm.s32 @p1 $0x1  }
0x15: {  	[smem:$0x3FB9] =	sst s0;
	s0 =	simm.s32 @!p2 $0x0  }
0x16: {  	s3 =	sld [smem:$0x3FDB];
	s0 =	simm.s32 @p2 $0x1  }
0x17: {  	s4 =	simm.s32 $0x1BF5;
	[smem:$0x3FBB] =	sst s0  }
0x18: {  	s0 =	sld [smem:$0x3F9E];
	_ =	swait.ge [sflag:s4], $0x0  }
0x19: {  	s7 =	sld [smem:$0x3F9F]  }
0x1a: {  	s8 =	sadd.s32 $0xFFFFE003, lr  }
0x1b: {  	s9 =	sadd.s32 $0xFFFFFEF7, lr;
	s5 =	simm.s32 $0xFFFFFFFF;
	p2 =	slt.u32 s8, $0xFFFFF086  }
0x1c: {  	p1 =	slt.u32 s9, $0xF7A;
	s5 =	simm.s32 @!p2 $0x0  }
0x1d: {  	s5 =	simm.s32 @p1 $0x1;
	p0 =	seq.s32 s7, s2  }
0x1e: {  	s7 =	smul.u32 @!p0 $0xF7A, s2;
	p2 =	seq.s32 @!p0 s5, $0x0  }
0x1f: {  	s9 =	smul.u32 $0xF7A, s1;
	s8 =	simm.s32 @!p0 $0x1BF5;
	p2 =	por !p2, p0  }
0x20: {  	[sflag:s8] =	ssyncset.s32 @!p0 $0xFFFFF086;
	s6 =	sadd.s32 @!p0 s3, s7;
	s7 =	simm.s32 @!p0 $0x108  }
0x21: {  	s3 =	sadd.s32 s3, s9;
	s6 =	sadd.s32 @!p0 $0x88, s6;
	s7 =	simm.s32 @p2 $0x1082  }
0x22: {  	[simem:s7], [sflag:s8] =	dma.local @!p0 [hbm:s6], $0xF7A  }
0x23: {  	s9 =	sor.u32 $0xD0000000, s2;
	s6 =	simm.s32 $0x108;
	_ =	swait.ge @!p0 [sflag:s8], $0x0  }
0x24: {  	s3 =	sadd.s32 $0x88, s3;
	s6 =	simm.s32 @!p1 $0x1082;
	[sflag:s4] =	ssyncset.s32 $0xFFFFF086  }
0x25: {  	[simem:s6], [sflag:s4] =	dma.local [hbm:s3], $0xF7A  }
0x26: {  	[smem:$0x3F9F] =	sst s1;
	(tag) =	ssettag s2;
	_ =	strace s9  }
0x27: {  	s1 =	sld [smem:$0x3FAF]  }
0x28: {  	s2 =	sld [smem:$0x3FB0]  }
0x29: {  	s4 =	sld [smem:$0x3FB2]  }
0x2a: {  	p0 =	seq.s32 s5, $0x0;
	s5 =	sld [smem:$0x3FB3]  }
0x2b: {  	s6 =	sld [smem:$0x3FB4]  }
0x2c: {  	s7 =	sld [smem:$0x3FB5]  }
0x2d: {  	s3 =	simm.s32 $0x108;
	s8 =	sld [smem:$0x3FB6]  }
0x2e: {  	s3 =	simm.s32 @!p0 $0x1082;
	s9 =	sld [smem:$0x3FB7]  }
0x2f: {  	lr =	sadd.s32 s0, s3;
	s0 =	sld [smem:$0x3FAE]  }
0x30: {  	s3 =	sld [smem:$0x3FB1]  }
0x31: {  	[smem:$0x3FBA] =	sst s10  }
0x32: {  	s10 =	sld [smem:$0x3FB8];
	_ =	sdelay $0x3  }
0x33: {  	p0 =	seq.s32 s10, $0x1;
	s10 =	sld [smem:$0x3FBA];
	_ =	sdelay $0x3  }
0x34: {  	[smem:$0x3FBA] =	sst s10  }
0x35: {  	s10 =	sld [smem:$0x3FB9];
	_ =	sdelay $0x3  }
0x36: {  	p1 =	seq.s32 s10, $0x1;
	s10 =	sld [smem:$0x3FBA];
	_ =	sdelay $0x3  }
0x37: {  	[smem:$0x3FBA] =	sst s10  }
0x38: {  	s10 =	sld [smem:$0x3FBB]  }
0x39: {  	_ = 	snop;
	(pc) =	sbr.ind lr, $3  }
0x3a: {  	_ = 	snop  }
0x3b: {  	_ = 	snop  }
0x3c: {  	p2 =	seq.s32 s10, $0x1;
	s10 =	sld [smem:$0x3FBA]  }
0x3d: {  	_ =	shalt  }
0x3e: {  	_ =	shalt  }
0x3f: {  	_ =	shalt  }
0x40: {  	_ =	shalt  }
0x41: {  	_ =	shalt  }
0x42: {  	_ =	shalt  }
0x43: {  	_ =	shalt  }
0x44: {  	_ =	shalt  }
0x45: {  	_ =	shalt  }
0x46: {  	_ =	shalt  }
0x47: {  	_ =	shalt  }
0x48: {  	_ =	shalt  }
0x49: {  	_ =	shalt  }
0x4a: {  	_ =	shalt  }
0x4b: {  	_ =	shalt  }
0x4c: {  	_ =	shalt  }
0x4d: {  	_ =	shalt  }
0x4e: {  	_ =	shalt  }
0x4f: {  	_ =	shalt  }
0x50: {  	_ =	shalt  }
0x51: {  	_ =	shalt  }
0x52: {  	_ =	shalt  }
0x53: {  	_ =	shalt  }
0x54: {  	_ =	shalt  }
0x55: {  	_ =	shalt  }
0x56: {  	_ =	shalt  }
0x57: {  	_ =	shalt  }
0x58: {  	_ =	shalt  }
0x59: {  	_ =	shalt  }
0x5a: {  	_ =	shalt  }
0x5b: {  	_ =	shalt  }
0x5c: {  	_ =	shalt  }
0x5d: {  	_ =	shalt  }
0x5e: {  	_ =	shalt  }
0x5f: {  	_ =	shalt  }
0x60: {  	_ =	shalt  }
0x61: {  	_ =	shalt  }
0x62: {  	_ =	shalt  }
0x63: {  	_ =	shalt  }
0x64: {  	_ =	shalt  }
0x65: {  	_ =	shalt  }
0x66: {  	_ =	shalt  }
0x67: {  	_ =	shalt  }
0x68: {  	_ =	shalt  }
0x69: {  	_ =	shalt  }
0x6a: {  	_ =	shalt  }
0x6b: {  	_ =	shalt  }
0x6c: {  	_ =	shalt  }
0x6d: {  	_ =	shalt  }
0x6e: {  	_ =	shalt  }
0x6f: {  	_ =	shalt  }
0x70: {  	_ =	shalt  }
0x71: {  	_ =	shalt  }
0x72: {  	_ =	shalt  }
0x73: {  	_ =	shalt  }
0x74: {  	_ =	shalt  }
0x75: {  	_ =	shalt  }
0x76: {  	_ =	shalt  }
0x77: {  	_ =	shalt  }
0x78: {  	_ =	shalt  }
0x79: {  	_ =	shalt  }
0x7a: {  	_ =	shalt  }
0x7b: {  	_ =	shalt  }
0x7c: {  	_ =	shalt  }
0x7d: {  	_ =	shalt  }
0x7e: {  	_ =	shalt  }
0x7f: {  	_ =	shalt  }
0x80: {  	_ =	shalt  }
0x81: {  	_ =	shalt  }
0x82: {  	_ =	shalt  }
0x83: {  	_ =	shalt  }
0x84: {  	_ =	shalt  }
0x85: {  	_ =	shalt  }
0x86: {  	_ =	shalt  }
0x87: {  	_ =	shalt  }
.Lfunc_end0:
.L_simem_size_0:
called_computation_lowered:
.L_overlay_start_0:
0x88: {  	s2 =	sld [smem:$0x3FD9]  }
0x89: {  	s3 =	sld [smem:$0x3FFE];
	_ =	sdelay $0x1  }
0x8a: {  	s1 =	srdreg.scid  }
0x8b: {  	s0 =	sand.u32 $0x1, s1  }
0x8c: {  	s17 =	sshll.u32 s0, $0xA;
	s2 =	sadd.s32 s3, s2  }
0x8d: {  	s2 =	sadd.s32 s2, s17  }
0x8e: {  	[smem:$0x3FC6] =	sst s2  }
0x8f: {  	_ = 	snop  }
0x90: {  	s2 =	sld [smem:$0x3FC8];
	(tm) =	ssettm $0x1  }
0x91: {  	s18 =	sld [smem:$0x3FFB];
	_ =	sdelay $0x3  }
0x92: {  	_ =	strace s18  }
0x93: {  	s3 =	sld [smem:$0x3FFC];
	_ =	sdelay $0x3  }
0x94: {  	_ =	strace s3  }
0x95: {  	s3 =	sld [smem:$0x3FFD];
	_ =	sdelay $0x3  }
0x96: {  	_ =	strace s3  }
0x97: {  	_ =	strace $0x8FFFFFFF  }
0x98: {  	s19 =	sld [smem:$0x3FDB];
	_ =	sdelay $0x1  }
0x99: {  	s4 =	simm.s32 $_scs_section_size  }
0x9a: {  	s5 =	simm.s32 $_size__tile_overlayer_lowered;
	s6 =	simm.s32 $_tile_overlayer_lowered  }
0x9b: {  	s22 =	simm.s32 $0x1BFF;
	s21 =	sshll.u32 s6, $0x1;
	s3 =	sadd.s32 s4, s19  }
0x9c: {  	s7 =	simm.s32 $0x0;
	s20 =	sshll.u32 s5, $0x1;
	s5 =	sadd.s32 s21, s3  }
0x9d: {  	[timem:s7], [sflag:s22] =	dma.local [hbm:s5], s20  }
0x9e: {  	_ =	swait.ge [sflag:s22], s20  }
0x9f: {  	s4 =	ssub.s32 $0x0, s20;
	[sflag:s22] =	ssyncset.done $0x0  }
0xa0: {  	[sflag:s22] =	ssyncadd.s32 s4;
	_ =	sdelay $0x1  }
0xa1: {  	s23 =	simm.s32 $0x1B8B  }
0xa2: {  	_ =	swait.ge [sflag:s23], $0x1  }
0xa3: {  	[sflag:s23] =	ssyncset.done $0x0  }
0xa4: {  	s25 =	simm.s32 $0x1B8E;
	s24 =	sld [smem:$0x3FFE];
	[sflag:s23] =	ssyncadd.s32 $0xFFFFFFFF  }
0xa5: {  	s26 =	simm.s32 $execute0_lowered;
	[smem:$0x3FD2] =	sst s25  }
0xa6: {  	s5 =	sshll.u32 s26, $0x1;
	_ =	strace $0x80000046;
	[dreg:$0x1] =	wrdreg $0xFFFFFFFF  }
0xa7: {  	s28 =	simm.s32 $_size_execute0_lowered;
	s3 =	sadd.s32 s3, s5;
	[dreg:$0x0] =	wrdreg $0x0  }
0xa8: {  	s5 =	sshll.u32 s28, $0x1;
	[dreg:$0x2] =	wrdreg s3  }
0xa9: {  	[dreg:$0x3] =	wrdreg s5  }
0xaa: {  	[dreg:$0x4] =	wrdreg $0xC0  }
0xab: {  	_ =	task [dreg:s7], $0x5FFFF  }
0xac: {  	[dreg:$0x1] =	wrdreg $0xFFFFFFFF  }
0xad: {  	[dreg:$0x0] =	wrdreg $0x60  }
0xae: {  	[dreg:$0x2] =	wrdreg s24  }
0xaf: {  	[dreg:$0x3] =	wrdreg s2  }
0xb0: {  	[dreg:$0x4] =	wrdreg $0x9  }
0xb1: {  	_ =	task.clear_ibuf [dreg:s7], $0x5FFFF;
	_ =	strace $0x90000046  }
0xb2: {  	s29 =	simm.s32 $0x9;
	_ =	strace $0x80000048  }
0xb3: {  	_ =	swait.ge [sflag:s29], $0x1  }
0xb4: {  	[sflag:s29] =	ssyncadd.s32 $0xFFFFFFFF  }
0xb5: {  	_ =	strace $0x90000048  }
0xb6: {  	_ =	sfence  }
0xb7: {  	s30 =	sld [smem:$0x0];
	_ =	sdelay $0x2  }
0xb8: {  	s31 =	sshll.u32 s1, $0xD;
	s1 =	sshrl.u32 s1, $0x2  }
0xb9: {  	s3 =	sand.u32 $0x4000, s31;
	s1 =	sadd.s32 s1, s30  }
0xba: {  	s0 =	sor.u32 s3, s0;
	s1 =	sshll.u32 s1, $0x11  }
0xbb: {  	s0 =	sor.u32 s1, s0  }
0xbc: {  	s0 =	sadd.s32 $0x8F2B, s0  }
0xbd: {  	[sflag:s0] =	ssyncadd.remote.s32 $0x1  }
0xbe: {  	_ =	sfence.sel $0xFFFF  }
0xbf: {  	[dreg:$0x0] =	wrdreg $0xFFFFFFFF;
	(pc) =	sbr.abs _section_cstart, $3  }
0xc0: {  	[dreg:$0x1] =	wrdreg $0xFFFFFFFF  }
0xc1: {  	_ =	task.clear_ibuf [dreg:s7], $0x2FFFF;
	_ =	strace $0x9FFFFFFF  }
0xc2: {  	(tm) =	ssettm $0x7FFFFFFF  }
0xc3: {  	_ =	shalt  }
tec
execute0_lowered:
.L_overlay_start_1:
0x0: {  	(tag) =	ssettag $0x1  }
0x1: {  	s0 =	rddreg [dreg:$0x0];
	s1 =	srdreg.scid  }
0x2: {  	s3 =	stileid.u32;
	s2 =	rddreg [dreg:$0x1];
	s15 =	simm.s32 $0x5  }
0x3: {  	s28 =	simm.s32 $0x14500;
	s29 =	simm.s32 $0x14D00;
	s30 =	simm.s32 $0x15500  }
0x4: {  	s31 =	simm.s32 $0x15D00;
	s18 =	simm.s32 $0x2;
	s19 =	simm.s32 $0x3  }
0x5: {  	s20 =	simm.s32 $0x4;
	s16 =	simm.s32 $0x0;
	s1 =	sand.u32 $0x1, s1  }
0x6: {  	s4 =	sshll.u32 s3, $0x1;
	s3 =	simm.s32 $0x0;
	s7 =	sadd.s32 $0x300, s2  }
0x7: {  	s8 =	sadd.s32 $0x400, s2;
	s9 =	sadd.s32 $0x500, s2;
	s10 =	sadd.s32 $0x600, s2  }
0x8: {  	s11 =	sadd.s32 $0x700, s2;
	s12 =	sadd.s32 $0x800, s2;
	s13 =	sadd.s32 $0x900, s2  }
0x9: {  	s14 =	sadd.s32 $0xA00, s2;
	s4 =	sor.u32 s1, s4;
	[smem:$0x7FF] =	sst s3  }
0xa: {  	s1 =	ssub.s32 $0x2, s1;
	s5 =	smul.u32 $0x1A0, s4;
	_ =	strace $0x80000047  }
.Ltmp0:
0xb: {  	s4 =	sshll.u32 s4, $0x4;
	s6 =	sshrl.u32 s1, $0x1;
	(pc) =	sbr.rel .LBB2_1-.Ltmp0, $4  }
0xc: {  	s4 =	sadd.s32 s4, s0;
	s1 =	ssub.s32 s1, s6;
	s0 =	sadd.s32 s0, s5  }
0xd: {  	v0 =	vlaneseq.u32;
	s6 =	sadd.s32 $0x200, s2;
	s25 =	sadd.s32 $0x3400, s4;
	[dreg:$0x3] =	wrdreg s0  }
0xe: {  	v1 =	vshrl.u32 v0, $0x3;
	s5 =	sadd.s32 $0x100, s2;
	s26 =	smax.u32 s1, $0x1;
	[dreg:$0x4] =	wrdreg s25  }
0xf: {  	vm0 =	vmmov $0xffff;
	v0 =	vand.u32 $0x7, v0;
	v1 =	vmul.u32 $0x8, v1;
	s1 =	simm.s32 $0x16500;
	[dreg:$0x5] =	wrdreg s26;
	s0 =	simm.s32 $0x1  }
.LBB2_12:
0x10: {  	v8 =	vadd.f32 v8, v9;
	_ =	sdelay $0x1  }
0x11: {  	v7 =	vadd.f32 v7, v8;
	_ =	sdelay $0x1  }
0x12: {  	v6 =	vadd.f32 v6, v7;
	_ =	sdelay $0x1  }
0x13: {  	v5 =	vadd.f32 v5, v6;
	_ =	sdelay $0x1  }
0x14: {  	v4 =	vadd.f32 v4, v5;
	_ =	sdelay $0x1  }
0x15: {  	v3 =	vadd.f32 v3, v4;
	_ =	sdelay $0x1  }
0x16: {  	v2 =	vadd.f32 v2, v3;
	_ =	sdelay $0x1  }
0x17: {  	s4 =	rddreg [dreg:$0x4];
	s15 =	simm.s32 $0x16D00;
	[tilespmem:$0x16D00] =	vst v2  }
0x18: {  	[hbm4b:s4+s3] =	stream.linear.scatter [tilespmem:s15], [sflag:$0x5], $0x80, $0x38;
	[tilespmem:$0x16D80] =	vst v63  }
0x19: {  	s15 =	simm.s32 $0x5  }
0x1a: {  	_ =	swait.ge [sflag:s15], $0x80  }
0x1b: {  	s16 =	rddreg [dreg:$0x6]  }
0x1c: {  	s26 =	rddreg [dreg:$0x5];
	s16 =	sadd.s32 $0x1, s16  }
0x1d: {  	p0 =	sne.s32 s16, s26  }
.Ltmp1:
0x1e: {  	_ = 	snop;
	(pc) =	sbr.rel @!p0 .LBB2_13-.Ltmp1, $3  }
0x1f: {  	_ =	sdelay $0x1  }
0x20: {  	[sflag:s15] =	ssyncset.done $0x0  }
0x21: {  	[sflag:s15] =	ssyncadd.s32 $0xFFFFFF80  }
.LBB2_1:
0x22: {  	[dreg:$0x6] =	wrdreg s16  }
0x23: {  	s4 =	rddreg [dreg:$0x3]  }
0x24: {  	[tilespmem:s3], [sflag:$0x5] =	stream.linear.gather [hbm4b:s4+s3], $0xD00, $0x38;
	[tilespmem:$0x16D80] =	vst v63  }
0x25: {  	_ =	swait.ge [sflag:s15], $0xD00  }
0x26: {  	[sflag:s15] =	ssyncset.done $0x0  }
0x27: {  	[sflag:s15] =	ssyncadd.s32 $0xFFFFF300  }
0x28: {  	v2 =	vld.msk [tilespmem:$0x0], $0xff;
	_ =	sdelay $0x4  }
0x29: {  	v3 =	vshrl.u32 v2, $0x3  }
0x2a: {  	v3 =	vmul.u32 $0xB0, v3  }
0x2b: {  	v2 =	vand.u32 $0x7, v2  }
0x2c: {  	v2 =	vor.u32 v2, v3  }
0x2d: {  	v2 =	vperm.xlane v2, v0;
	_ =	sdelay $0x1  }
0x2e: {  	v2 =	vadd.s32 v1, v2;
	_ =	sdelay $0x3  }
0x2f: {  	s24 =	simm.s32 $0xD00  }
0x30: {  	[tilespmem:s24], [sflag:$0x1] =	stream.indirect_vreg.gather [hbm4b:s2+s3], $0x80, v2, vm0, $0xb8;
	[tilespmem:$0x16D80] =	vst v63  }
0x31: {  	s25 =	simm.s32 $0x1500  }
0x32: {  	[tilespmem:s25], [sflag:$0x1] =	stream.indirect_vreg.gather [hbm4b:s5+s3], $0x80, v2, vm0, $0xb8;
	[tilespmem:$0x16D80] =	vst v63  }
0x33: {  	s26 =	simm.s32 $0x1D00  }
0x34: {  	[tilespmem:s26], [sflag:$0x1] =	stream.indirect_vreg.gather [hbm4b:s6+s3], $0x80, v2, vm0, $0xb8;
	[tilespmem:$0x16D80] =	vst v63  }
0x35: {  	s15 =	simm.s32 $0x2500  }
0x36: {  	[tilespmem:s15], [sflag:$0x1] =	stream.indirect_vreg.gather [hbm4b:s7+s3], $0x80, v2, vm0, $0xb8;
	[tilespmem:$0x16D80] =	vst v63  }
0x37: {  	s16 =	simm.s32 $0x2D00  }
0x38: {  	[tilespmem:s16], [sflag:$0x1] =	stream.indirect_vreg.gather [hbm4b:s8+s3], $0x80, v2, vm0, $0xb8;
	[tilespmem:$0x16D80] =	vst v63  }
0x39: {  	s17 =	simm.s32 $0x3500  }
0x3a: {  	[tilespmem:s17], [sflag:$0x1] =	stream.indirect_vreg.gather [hbm4b:s9+s3], $0x80, v2, vm0, $0xb8;
	[tilespmem:$0x16D80] =	vst v63  }
0x3b: {  	s21 =	simm.s32 $0x3D00  }
0x3c: {  	[tilespmem:s21], [sflag:$0x1] =	stream.indirect_vreg.gather [hbm4b:s10+s3], $0x80, v2, vm0, $0xb8;
	[tilespmem:$0x16D80] =	vst v63  }
0x3d: {  	s22 =	simm.s32 $0x4500  }
0x3e: {  	[tilespmem:s22], [sflag:$0x1] =	stream.indirect_vreg.gather [hbm4b:s11+s3], $0x80, v2, vm0, $0xb8;
	[tilespmem:$0x16D80] =	vst v63  }
0x3f: {  	s23 =	simm.s32 $0x4D00  }
0x40: {  	[tilespmem:s23], [sflag:$0x1] =	stream.indirect_vreg.gather [hbm4b:s12+s3], $0x80, v2, vm0, $0xb8;
	[tilespmem:$0x16D80] =	vst v63  }
0x41: {  	s24 =	simm.s32 $0x5500  }
0x42: {  	[tilespmem:s24], [sflag:$0x1] =	stream.indirect_vreg.gather [hbm4b:s13+s3], $0x80, v2, vm0, $0xb8;
	[tilespmem:$0x16D80] =	vst v63  }
0x43: {  	s25 =	simm.s32 $0x5D00  }
0x44: {  	[tilespmem:s25], [sflag:$0x1] =	stream.indirect_vreg.gather [hbm4b:s14+s3], $0x80, v2, vm0, $0xb8;
	[tilespmem:$0x16D80] =	vst v63  }
0x45: {  	v2 =	vld.msk [tilespmem:$0x8], $0xff;
	_ =	sdelay $0x4  }
0x46: {  	v3 =	vshrl.u32 v2, $0x3  }
0x47: {  	v3 =	vmul.u32 $0xB0, v3  }
0x48: {  	v2 =	vand.u32 $0x7, v2  }
0x49: {  	v2 =	vor.u32 v2, v3  }
0x4a: {  	v2 =	vperm.xlane v2, v0;
	_ =	sdelay $0x1  }
0x4b: {  	v2 =	vadd.s32 v1, v2;
	_ =	sdelay $0x3  }
0x4c: {  	s26 =	simm.s32 $0x6500  }
0x4d: {  	[tilespmem:s26], [sflag:$0x2] =	stream.indirect_vreg.gather [hbm4b:s2+s3], $0x80, v2, vm0, $0xb8;
	[tilespmem:$0x16D80] =	vst v63  }
0x4e: {  	s15 =	simm.s32 $0x6D00  }
0x4f: {  	[tilespmem:s15], [sflag:$0x2] =	stream.indirect_vreg.gather [hbm4b:s5+s3], $0x80, v2, vm0, $0xb8;
	[tilespmem:$0x16D80] =	vst v63  }
0x50: {  	s16 =	simm.s32 $0x7500  }
0x51: {  	[tilespmem:s16], [sflag:$0x2] =	stream.indirect_vreg.gather [hbm4b:s6+s3], $0x80, v2, vm0, $0xb8;
	[tilespmem:$0x16D80] =	vst v63  }
0x52: {  	s17 =	simm.s32 $0x7D00  }
0x53: {  	[tilespmem:s17], [sflag:$0x2] =	stream.indirect_vreg.gather [hbm4b:s7+s3], $0x80, v2, vm0, $0xb8;
	[tilespmem:$0x16D80] =	vst v63  }
0x54: {  	s21 =	simm.s32 $0x8500  }
0x55: {  	[tilespmem:s21], [sflag:$0x2] =	stream.indirect_vreg.gather [hbm4b:s8+s3], $0x80, v2, vm0, $0xb8;
	[tilespmem:$0x16D80] =	vst v63  }
0x56: {  	s22 =	simm.s32 $0x8D00  }
0x57: {  	[tilespmem:s22], [sflag:$0x2] =	stream.indirect_vreg.gather [hbm4b:s9+s3], $0x80, v2, vm0, $0xb8;
	[tilespmem:$0x16D80] =	vst v63  }
0x58: {  	s23 =	simm.s32 $0x9500  }
0x59: {  	[tilespmem:s23], [sflag:$0x2] =	stream.indirect_vreg.gather [hbm4b:s10+s3], $0x80, v2, vm0, $0xb8;
	[tilespmem:$0x16D80] =	vst v63  }
0x5a: {  	s24 =	simm.s32 $0x9D00  }
0x5b: {  	[tilespmem:s24], [sflag:$0x2] =	stream.indirect_vreg.gather [hbm4b:s11+s3], $0x80, v2, vm0, $0xb8;
	[tilespmem:$0x16D80] =	vst v63  }
0x5c: {  	s25 =	simm.s32 $0xA500  }
0x5d: {  	[tilespmem:s25], [sflag:$0x2] =	stream.indirect_vreg.gather [hbm4b:s12+s3], $0x80, v2, vm0, $0xb8;
	[tilespmem:$0x16D80] =	vst v63  }
0x5e: {  	s26 =	simm.s32 $0xAD00  }
0x5f: {  	[tilespmem:s26], [sflag:$0x2] =	stream.indirect_vreg.gather [hbm4b:s13+s3], $0x80, v2, vm0, $0xb8;
	[tilespmem:$0x16D80] =	vst v63  }
0x60: {  	s15 =	simm.s32 $0xB500  }
0x61: {  	[tilespmem:s15], [sflag:$0x2] =	stream.indirect_vreg.gather [hbm4b:s14+s3], $0x80, v2, vm0, $0xb8;
	[tilespmem:$0x16D80] =	vst v63  }
0x62: {  	v2 =	vld.msk [tilespmem:$0x10], $0xff;
	_ =	sdelay $0x4  }
0x63: {  	v3 =	vshrl.u32 v2, $0x3  }
0x64: {  	v3 =	vmul.u32 $0xB0, v3  }
0x65: {  	v2 =	vand.u32 $0x7, v2  }
0x66: {  	v2 =	vor.u32 v2, v3  }
0x67: {  	v2 =	vperm.xlane v2, v0;
	_ =	sdelay $0x1  }
0x68: {  	v2 =	vadd.s32 v1, v2;
	_ =	sdelay $0x3  }
0x69: {  	s16 =	simm.s32 $0xBD00  }
0x6a: {  	[tilespmem:s16], [sflag:$0x3] =	stream.indirect_vreg.gather [hbm4b:s2+s3], $0x80, v2, vm0, $0xb8;
	[tilespmem:$0x16D80] =	vst v63  }
0x6b: {  	s17 =	simm.s32 $0xC500  }
0x6c: {  	[tilespmem:s17], [sflag:$0x3] =	stream.indirect_vreg.gather [hbm4b:s5+s3], $0x80, v2, vm0, $0xb8;
	[tilespmem:$0x16D80] =	vst v63  }
0x6d: {  	s21 =	simm.s32 $0xCD00  }
0x6e: {  	[tilespmem:s21], [sflag:$0x3] =	stream.indirect_vreg.gather [hbm4b:s6+s3], $0x80, v2, vm0, $0xb8;
	[tilespmem:$0x16D80] =	vst v63  }
0x6f: {  	s22 =	simm.s32 $0xD500  }
0x70: {  	[tilespmem:s22], [sflag:$0x3] =	stream.indirect_vreg.gather [hbm4b:s7+s3], $0x80, v2, vm0, $0xb8;
	[tilespmem:$0x16D80] =	vst v63  }
0x71: {  	s23 =	simm.s32 $0xDD00  }
0x72: {  	[tilespmem:s23], [sflag:$0x3] =	stream.indirect_vreg.gather [hbm4b:s8+s3], $0x80, v2, vm0, $0xb8;
	[tilespmem:$0x16D80] =	vst v63  }
0x73: {  	s24 =	simm.s32 $0xE500  }
0x74: {  	[tilespmem:s24], [sflag:$0x3] =	stream.indirect_vreg.gather [hbm4b:s9+s3], $0x80, v2, vm0, $0xb8;
	[tilespmem:$0x16D80] =	vst v63  }
0x75: {  	s25 =	simm.s32 $0xED00  }
0x76: {  	[tilespmem:s25], [sflag:$0x3] =	stream.indirect_vreg.gather [hbm4b:s10+s3], $0x80, v2, vm0, $0xb8;
	[tilespmem:$0x16D80] =	vst v63  }
0x77: {  	s26 =	simm.s32 $0xF500  }
0x78: {  	[tilespmem:s26], [sflag:$0x3] =	stream.indirect_vreg.gather [hbm4b:s11+s3], $0x80, v2, vm0, $0xb8;
	[tilespmem:$0x16D80] =	vst v63  }
0x79: {  	s15 =	simm.s32 $0xFD00  }
0x7a: {  	[tilespmem:s15], [sflag:$0x3] =	stream.indirect_vreg.gather [hbm4b:s12+s3], $0x80, v2, vm0, $0xb8;
	[tilespmem:$0x16D80] =	vst v63  }
0x7b: {  	s16 =	simm.s32 $0x10500  }
0x7c: {  	[tilespmem:s16], [sflag:$0x3] =	stream.indirect_vreg.gather [hbm4b:s13+s3], $0x80, v2, vm0, $0xb8;
	[tilespmem:$0x16D80] =	vst v63  }
0x7d: {  	s17 =	simm.s32 $0x10D00  }
0x7e: {  	[tilespmem:s17], [sflag:$0x3] =	stream.indirect_vreg.gather [hbm4b:s14+s3], $0x80, v2, vm0, $0xb8;
	[tilespmem:$0x16D80] =	vst v63  }
0x7f: {  	v2 =	vld.msk [tilespmem:$0x18], $0xff;
	_ =	sdelay $0x4  }
0x80: {  	v3 =	vshrl.u32 v2, $0x3  }
0x81: {  	v3 =	vmul.u32 $0xB0, v3  }
0x82: {  	v2 =	vand.u32 $0x7, v2  }
0x83: {  	v2 =	vor.u32 v2, v3  }
0x84: {  	v2 =	vperm.xlane v2, v0;
	_ =	sdelay $0x1  }
0x85: {  	v2 =	vadd.s32 v1, v2;
	_ =	sdelay $0x3  }
0x86: {  	s21 =	simm.s32 $0x11500  }
0x87: {  	[tilespmem:s21], [sflag:$0x4] =	stream.indirect_vreg.gather [hbm4b:s2+s3], $0x80, v2, vm0, $0xb8;
	[tilespmem:$0x16D80] =	vst v63  }
0x88: {  	s22 =	simm.s32 $0x11D00  }
0x89: {  	[tilespmem:s22], [sflag:$0x4] =	stream.indirect_vreg.gather [hbm4b:s5+s3], $0x80, v2, vm0, $0xb8;
	[tilespmem:$0x16D80] =	vst v63  }
0x8a: {  	s23 =	simm.s32 $0x12500  }
0x8b: {  	[tilespmem:s23], [sflag:$0x4] =	stream.indirect_vreg.gather [hbm4b:s6+s3], $0x80, v2, vm0, $0xb8;
	[tilespmem:$0x16D80] =	vst v63  }
0x8c: {  	s24 =	simm.s32 $0x12D00  }
0x8d: {  	[tilespmem:s24], [sflag:$0x4] =	stream.indirect_vreg.gather [hbm4b:s7+s3], $0x80, v2, vm0, $0xb8;
	[tilespmem:$0x16D80] =	vst v63  }
0x8e: {  	s25 =	simm.s32 $0x13500  }
0x8f: {  	[tilespmem:s25], [sflag:$0x4] =	stream.indirect_vreg.gather [hbm4b:s8+s3], $0x80, v2, vm0, $0xb8;
	[tilespmem:$0x16D80] =	vst v63  }
0x90: {  	s26 =	simm.s32 $0x13D00  }
0x91: {  	[tilespmem:s26], [sflag:$0x4] =	stream.indirect_vreg.gather [hbm4b:s9+s3], $0x80, v2, vm0, $0xb8;
	[tilespmem:$0x16D80] =	vst v63  }
0x92: {  	_ = 	snop  }
0x93: {  	[tilespmem:s28], [sflag:$0x4] =	stream.indirect_vreg.gather [hbm4b:s10+s3], $0x80, v2, vm0, $0xb8;
	[tilespmem:$0x16D80] =	vst v63  }
0x94: {  	_ = 	snop  }
0x95: {  	[tilespmem:s29], [sflag:$0x4] =	stream.indirect_vreg.gather [hbm4b:s11+s3], $0x80, v2, vm0, $0xb8;
	[tilespmem:$0x16D80] =	vst v63  }
0x96: {  	_ = 	snop  }
0x97: {  	[tilespmem:s30], [sflag:$0x4] =	stream.indirect_vreg.gather [hbm4b:s12+s3], $0x80, v2, vm0, $0xb8;
	[tilespmem:$0x16D80] =	vst v63  }
0x98: {  	_ = 	snop  }
0x99: {  	v4 =	vimm.f32 $0.0e+00;
	v5 =	vimm.f32 $0.0e+00;
	[tilespmem:s31], [sflag:$0x4] =	stream.indirect_vreg.gather [hbm4b:s13+s3], $0x80, v2, vm0, $0xb8;
	[tilespmem:$0x16D80] =	vst v63  }
0x9a: {  	v6 =	vimm.f32 $0.0e+00;
	v7 =	vimm.f32 $0.0e+00;
	v8 =	vimm.f32 $0.0e+00;
	s15 =	simm.s32 $0x0  }
0x9b: {  	v9 =	vimm.f32 $0.0e+00;
	v3 =	vimm.f32 $0.0e+00;
	[tilespmem:s1], [sflag:$0x4] =	stream.indirect_vreg.gather [hbm4b:s14+s3], $0x80, v2, vm0, $0xb8;
	v2 =	vimm.f32 $0.0e+00;
	[tilespmem:$0x16D80] =	vst v63  }
.LBB2_2:
0x9c: {  	_ =	swait.ge [sflag:s0], $0x5800;
	s4 =	simm.s32 $0x0  }
0x9d: {  	[sflag:s0] =	ssyncset.done $0x0;
	s16 =	sand.u32 $0x60, s4;
	s17 =	sand.u32 $0x7C00, s4  }
0x9e: {  	[sflag:s0] =	ssyncadd.s32 $0xFFFFA800;
	s21 =	sor.u32 s16, s17  }
0x9f: {  	v15 =	vld [tilespmem:s21+$0xD10]  }
0xa0: {  	v17 =	vld [tilespmem:s21+$0xD90]  }
0xa1: {  	v16 =	vld [tilespmem:s21+$0xE10]  }
0xa2: {  	v18 =	vld [tilespmem:s21+$0xE90]  }
0xa3: {  	v11 =	vld [tilespmem:s21+$0xF10]  }
0xa4: {  	v13 =	vld [tilespmem:s21+$0xF90]  }
0xa5: {  	v19 =	vld [tilespmem:s21+$0xD00]  }
0xa6: {  	v20 =	vld [tilespmem:s21+$0xD80]  }
0xa7: {  	s26 =	sand.u32 $0x3, s4;
	v14 =	vld [tilespmem:s21+$0xE00]  }
0xa8: {  	s22 =	sshll.u32 s26, $0x5;
	s16 =	simm.s32 $0x20;
	s17 =	simm.s32 $0x0;
	v21 =	vld [tilespmem:s21+$0xE80]  }
.LBB2_3:
0xa9: {  	p0 =	sne.s32 s16, $0xAE0;
	s22 =	sadd.s32 s22, s4;
	v10 =	vld [tilespmem:s21+$0xF00]  }
0xaa: {  	v12 =	vld [tilespmem:s21+$0xF80];
	s21 =	sor.u32 $0x300, s22  }
0xab: {  	v22 =	vld [tilespmem:s21+$0xD00];
	s21 =	sor.u32 $0x380, s22;
	s22 =	sadd.s32 $0x10, s22  }
0xac: {  	s4 =	sadd.s32 $0x100, s4;
	v9 =	vadd.f32 v19, v9;
	v8 =	vadd.f32 v20, v8;
	v19 =	vld [tilespmem:s21+$0xD00];
	s21 =	sor.u32 $0x300, s22  }
0xad: {  	s23 =	sand.u32 $0x60, s16;
	s24 =	sand.u32 $0x7C00, s4;
	v7 =	vadd.f32 v14, v7;
	s22 =	sor.u32 $0x380, s22;
	v6 =	vadd.f32 v21, v6;
	v14 =	vld [tilespmem:s21+$0xD00]  }
0xae: {  	v9 =	vadd.f32 v15, v9;
	s21 =	sor.u32 s23, s24;
	v8 =	vadd.f32 v17, v8;
	v20 =	vld [tilespmem:s22+$0xD00]  }
0xaf: {  	v7 =	vadd.f32 v16, v7;
	v15 =	vld [tilespmem:s21+$0xD10];
	v6 =	vadd.f32 v18, v6  }
0xb0: {  	v5 =	vadd.f32 v10, v5;
	v4 =	vadd.f32 v12, v4;
	v17 =	vld [tilespmem:s21+$0xD90]  }
0xb1: {  	v3 =	vadd.f32 v22, v3;
	v16 =	vld [tilespmem:s21+$0xE10];
	v2 =	vadd.f32 v19, v2  }
0xb2: {  	v5 =	vadd.f32 v11, v5;
	v4 =	vadd.f32 v13, v4;
	v18 =	vld [tilespmem:s21+$0xE90]  }
0xb3: {  	v3 =	vadd.f32 v14, v3;
	v11 =	vld [tilespmem:s21+$0xF10];
	v2 =	vadd.f32 v20, v2  }
.Ltmp2:
0xb4: {  	v13 =	vld [tilespmem:s21+$0xF90];
	(pc) =	sbr.rel @p0 .LBB2_3-.Ltmp2, $4  }
0xb5: {  	v19 =	vld [tilespmem:s21+$0xD00]  }
0xb6: {  	s17 =	sadd.s32 $0x1, s17;
	v20 =	vld [tilespmem:s21+$0xD80]  }
0xb7: {  	s22 =	sand.u32 $0x3, s17;
	v14 =	vld [tilespmem:s21+$0xE00]  }
0xb8: {  	s16 =	sadd.s32 $0x20, s16;
	s22 =	sshll.u32 s22, $0x5;
	v21 =	vld [tilespmem:s21+$0xE80]  }
0xb9: {  	s16 =	sshll.u32 s15, $0x7;
	p0 =	seq.s32 s15, $0x67  }
0xba: {  	s17 =	sshrl.u32 @!p0 s16, $0x2  }
0xbb: {  	v10 =	vld.msk @!p0 [tilespmem:s17+$0x20], $0xff;
	_ =	sdelay $0x4  }
0xbc: {  	v12 =	vshrl.u32 @!p0 v10, $0x3  }
0xbd: {  	v12 =	vmul.u32 @!p0 $0xB0, v12  }
0xbe: {  	v22 =	vlaneseq.u32 @!p0;
	v10 =	vand.u32 @!p0 $0x7, v10  }
0xbf: {  	v10 =	vor.u32 @!p0 v10, v12;
	v12 =	vand.u32 @!p0 $0x7, v22;
	v22 =	vshrl.u32 @!p0 v22, $0x3  }
0xc0: {  	v10 =	vperm.xlane @!p0 v10, v12;
	v12 =	vmul.u32 @!p0 $0x8, v22  }
0xc1: {  	s4 =	sadd.s32 s22, s4  }
0xc2: {  	v23 =	vld [tilespmem:s21+$0xF80];
	s26 =	sor.u32 $0x300, s4;
	v10 =	vadd.s32 @!p0 v12, v10  }
0xc3: {  	s22 =	sor.u32 $0x380, s4;
	s4 =	sadd.s32 $0x10, s4;
	v24 =	vld [tilespmem:s26+$0xD00]  }
0xc4: {  	v25 =	vld [tilespmem:s22+$0xD00];
	s23 =	sor.u32 $0x300, s4;
	s4 =	sor.u32 $0x380, s4  }
0xc5: {  	v27 =	vld [tilespmem:s4+$0xD00]  }
0xc6: {  	vm1 =	vmmov @!p0 $0xffff;
	s4 =	simm.s32 @!p0 $0x0;
	v22 =	vld [tilespmem:s21+$0xF00];
	s21 =	simm.s32 @!p0 $0xD00  }
0xc7: {  	v26 =	vld [tilespmem:s23+$0xD00];
	[tilespmem:s21], [sflag:$0x1] =	stream.indirect_vreg.gather @!p0 [hbm4b:s2+s4], $0x80, v10, vm1, $0xb8  }
0xc8: {  	s21 =	simm.s32 @!p0 $0x1500  }
0xc9: {  	[tilespmem:s21], [sflag:$0x1] =	stream.indirect_vreg.gather @!p0 [hbm4b:s5+s4], $0x80, v10, vm1, $0xb8;
	[tilespmem:$0x16D80] =	vst v63  }
0xca: {  	s21 =	simm.s32 @!p0 $0x1D00  }
0xcb: {  	[tilespmem:s21], [sflag:$0x1] =	stream.indirect_vreg.gather @!p0 [hbm4b:s6+s4], $0x80, v10, vm1, $0xb8;
	[tilespmem:$0x16D80] =	vst v63  }
0xcc: {  	s21 =	simm.s32 @!p0 $0x2500  }
0xcd: {  	[tilespmem:s21], [sflag:$0x1] =	stream.indirect_vreg.gather @!p0 [hbm4b:s7+s4], $0x80, v10, vm1, $0xb8;
	[tilespmem:$0x16D80] =	vst v63  }
0xce: {  	s21 =	simm.s32 @!p0 $0x2D00  }
0xcf: {  	[tilespmem:s21], [sflag:$0x1] =	stream.indirect_vreg.gather @!p0 [hbm4b:s8+s4], $0x80, v10, vm1, $0xb8;
	[tilespmem:$0x16D80] =	vst v63  }
0xd0: {  	s21 =	simm.s32 @!p0 $0x3500  }
0xd1: {  	[tilespmem:s21], [sflag:$0x1] =	stream.indirect_vreg.gather @!p0 [hbm4b:s9+s4], $0x80, v10, vm1, $0xb8;
	[tilespmem:$0x16D80] =	vst v63  }
0xd2: {  	s21 =	simm.s32 @!p0 $0x3D00  }
0xd3: {  	[tilespmem:s21], [sflag:$0x1] =	stream.indirect_vreg.gather @!p0 [hbm4b:s10+s4], $0x80, v10, vm1, $0xb8;
	[tilespmem:$0x16D80] =	vst v63  }
0xd4: {  	s21 =	simm.s32 @!p0 $0x4500  }
0xd5: {  	[tilespmem:s21], [sflag:$0x1] =	stream.indirect_vreg.gather @!p0 [hbm4b:s11+s4], $0x80, v10, vm1, $0xb8;
	[tilespmem:$0x16D80] =	vst v63  }
0xd6: {  	s21 =	simm.s32 @!p0 $0x4D00  }
0xd7: {  	[tilespmem:s21], [sflag:$0x1] =	stream.indirect_vreg.gather @!p0 [hbm4b:s12+s4], $0x80, v10, vm1, $0xb8;
	[tilespmem:$0x16D80] =	vst v63  }
0xd8: {  	s21 =	simm.s32 @!p0 $0x5500  }
0xd9: {  	[tilespmem:s21], [sflag:$0x1] =	stream.indirect_vreg.gather @!p0 [hbm4b:s13+s4], $0x80, v10, vm1, $0xb8;
	[tilespmem:$0x16D80] =	vst v63  }
0xda: {  	s21 =	simm.s32 @!p0 $0x5D00  }
0xdb: {  	[tilespmem:s21], [sflag:$0x1] =	stream.indirect_vreg.gather @!p0 [hbm4b:s14+s4], $0x80, v10, vm1, $0xb8;
	[tilespmem:$0x16D80] =	vst v63  }
0xdc: {  	s4 =	simm.s32 $0x0;
	_ =	swait.ge [sflag:s18], $0x5800  }
0xdd: {  	s24 =	sand.u32 $0x60, s4;
	s25 =	sand.u32 $0x7C00, s4;
	[sflag:s18] =	ssyncset.done $0x0  }
0xde: {  	s21 =	sor.u32 s24, s25;
	[sflag:s18] =	ssyncadd.s32 $0xFFFFA800  }
0xdf: {  	v10 =	vld [tilespmem:s21+$0x6510]  }
0xe0: {  	v19 =	vadd.f32 v19, v9;
	v12 =	vld [tilespmem:s21+$0x6590]  }
0xe1: {  	v20 =	vadd.f32 v20, v8;
	v9 =	vld [tilespmem:s21+$0x6610]  }
0xe2: {  	v7 =	vadd.f32 v14, v7;
	v8 =	vadd.f32 v15, v19;
	v14 =	vld [tilespmem:s21+$0x6690]  }
0xe3: {  	v21 =	vadd.f32 v21, v6;
	v20 =	vadd.f32 v17, v20;
	v6 =	vld [tilespmem:s21+$0x6710]  }
0xe4: {  	v19 =	vadd.f32 v16, v7;
	v16 =	vadd.f32 v23, v4;
	v7 =	vld [tilespmem:s21+$0x6790]  }
0xe5: {  	v18 =	vadd.f32 v18, v21;
	v3 =	vadd.f32 v24, v3;
	v4 =	vld [tilespmem:s21+$0x6500]  }
0xe6: {  	v17 =	vadd.f32 v25, v2;
	v5 =	vadd.f32 v22, v5;
	v21 =	vld [tilespmem:s21+$0x6580]  }
0xe7: {  	v13 =	vadd.f32 v13, v16;
	v16 =	vadd.f32 v26, v3;
	s26 =	sand.u32 $0x3, s4;
	v2 =	vld [tilespmem:s21+$0x6600]  }
0xe8: {  	s22 =	simm.s32 $0x20;
	s23 =	simm.s32 $0x0;
	v17 =	vadd.f32 v27, v17;
	v15 =	vadd.f32 v11, v5;
	s24 =	sshll.u32 s26, $0x5;
	v11 =	vld [tilespmem:s21+$0x6680]  }
.LBB2_5:
0xe9: {  	p1 =	sne.s32 s22, $0xAE0;
	s24 =	sadd.s32 s24, s4;
	v3 =	vld [tilespmem:s21+$0x6700]  }
0xea: {  	v5 =	vld [tilespmem:s21+$0x6780];
	s21 =	sor.u32 $0x300, s24  }
0xeb: {  	v22 =	vld [tilespmem:s21+$0x6500];
	s21 =	sor.u32 $0x380, s24;
	s24 =	sadd.s32 $0x10, s24  }
0xec: {  	s4 =	sadd.s32 $0x100, s4;
	v4 =	vadd.f32 v4, v8;
	v20 =	vadd.f32 v21, v20;
	v21 =	vld [tilespmem:s21+$0x6500];
	s21 =	sor.u32 $0x300, s24  }
0xed: {  	s25 =	sand.u32 $0x60, s22;
	s26 =	sand.u32 $0x7C00, s4;
	v2 =	vadd.f32 v2, v19;
	s24 =	sor.u32 $0x380, s24;
	v11 =	vadd.f32 v11, v18;
	v23 =	vld [tilespmem:s21+$0x6500]  }
0xee: {  	v8 =	vadd.f32 v10, v4;
	s21 =	sor.u32 s25, s26;
	v20 =	vadd.f32 v12, v20;
	v4 =	vld [tilespmem:s24+$0x6500]  }
0xef: {  	v19 =	vadd.f32 v9, v2;
	v10 =	vld [tilespmem:s21+$0x6510];
	v18 =	vadd.f32 v14, v11  }
0xf0: {  	v2 =	vadd.f32 v3, v15;
	v3 =	vadd.f32 v5, v13;
	v12 =	vld [tilespmem:s21+$0x6590]  }
0xf1: {  	v5 =	vadd.f32 v22, v16;
	v9 =	vld [tilespmem:s21+$0x6610];
	v11 =	vadd.f32 v21, v17  }
0xf2: {  	v15 =	vadd.f32 v6, v2;
	v13 =	vadd.f32 v7, v3;
	v14 =	vld [tilespmem:s21+$0x6690]  }
0xf3: {  	v16 =	vadd.f32 v23, v5;
	v6 =	vld [tilespmem:s21+$0x6710];
	v17 =	vadd.f32 v4, v11  }
.Ltmp3:
0xf4: {  	v7 =	vld [tilespmem:s21+$0x6790];
	(pc) =	sbr.rel @p1 .LBB2_5-.Ltmp3, $4  }
0xf5: {  	v4 =	vld [tilespmem:s21+$0x6500]  }
0xf6: {  	s23 =	sadd.s32 $0x1, s23;
	v21 =	vld [tilespmem:s21+$0x6580]  }
0xf7: {  	s24 =	sand.u32 $0x3, s23;
	v2 =	vld [tilespmem:s21+$0x6600]  }
0xf8: {  	s22 =	sadd.s32 $0x20, s22;
	s24 =	sshll.u32 s24, $0x5;
	v11 =	vld [tilespmem:s21+$0x6680]  }
0xf9: {  	v3 =	vld.msk @!p0 [tilespmem:s17+$0x28], $0xff;
	_ =	sdelay $0x4  }
0xfa: {  	v5 =	vshrl.u32 @!p0 v3, $0x3  }
0xfb: {  	v5 =	vmul.u32 @!p0 $0xB0, v5  }
0xfc: {  	v22 =	vlaneseq.u32 @!p0;
	v3 =	vand.u32 @!p0 $0x7, v3  }
0xfd: {  	v3 =	vor.u32 @!p0 v3, v5;
	v5 =	vand.u32 @!p0 $0x7, v22;
	v22 =	vshrl.u32 @!p0 v22, $0x3  }
0xfe: {  	v3 =	vperm.xlane @!p0 v3, v5;
	v5 =	vmul.u32 @!p0 $0x8, v22  }
0xff: {  	s4 =	sadd.s32 s24, s4  }
0x100: {  	v23 =	vld [tilespmem:s21+$0x6780];
	s22 =	sor.u32 $0x300, s4;
	v3 =	vadd.s32 @!p0 v5, v3  }
0x101: {  	s23 =	sor.u32 $0x380, s4;
	s4 =	sadd.s32 $0x10, s4;
	v24 =	vld [tilespmem:s22+$0x6500]  }
0x102: {  	v25 =	vld [tilespmem:s23+$0x6500];
	s24 =	sor.u32 $0x300, s4;
	s4 =	sor.u32 $0x380, s4  }
0x103: {  	v27 =	vld [tilespmem:s4+$0x6500]  }
0x104: {  	s4 =	simm.s32 @!p0 $0x0;
	v22 =	vld [tilespmem:s21+$0x6700];
	s21 =	simm.s32 @!p0 $0x6500  }
0x105: {  	v26 =	vld [tilespmem:s24+$0x6500];
	[tilespmem:s21], [sflag:$0x2] =	stream.indirect_vreg.gather @!p0 [hbm4b:s2+s4], $0x80, v3, vm1, $0xb8  }
0x106: {  	s21 =	simm.s32 @!p0 $0x6D00  }
0x107: {  	[tilespmem:s21], [sflag:$0x2] =	stream.indirect_vreg.gather @!p0 [hbm4b:s5+s4], $0x80, v3, vm1, $0xb8;
	[tilespmem:$0x16D80] =	vst v63  }
0x108: {  	s21 =	simm.s32 @!p0 $0x7500  }
0x109: {  	[tilespmem:s21], [sflag:$0x2] =	stream.indirect_vreg.gather @!p0 [hbm4b:s6+s4], $0x80, v3, vm1, $0xb8;
	[tilespmem:$0x16D80] =	vst v63  }
0x10a: {  	s21 =	simm.s32 @!p0 $0x7D00  }
0x10b: {  	[tilespmem:s21], [sflag:$0x2] =	stream.indirect_vreg.gather @!p0 [hbm4b:s7+s4], $0x80, v3, vm1, $0xb8;
	[tilespmem:$0x16D80] =	vst v63  }
0x10c: {  	s21 =	simm.s32 @!p0 $0x8500  }
0x10d: {  	[tilespmem:s21], [sflag:$0x2] =	stream.indirect_vreg.gather @!p0 [hbm4b:s8+s4], $0x80, v3, vm1, $0xb8;
	[tilespmem:$0x16D80] =	vst v63  }
0x10e: {  	s21 =	simm.s32 @!p0 $0x8D00  }
0x10f: {  	[tilespmem:s21], [sflag:$0x2] =	stream.indirect_vreg.gather @!p0 [hbm4b:s9+s4], $0x80, v3, vm1, $0xb8;
	[tilespmem:$0x16D80] =	vst v63  }
0x110: {  	s21 =	simm.s32 @!p0 $0x9500  }
0x111: {  	[tilespmem:s21], [sflag:$0x2] =	stream.indirect_vreg.gather @!p0 [hbm4b:s10+s4], $0x80, v3, vm1, $0xb8;
	[tilespmem:$0x16D80] =	vst v63  }
0x112: {  	s21 =	simm.s32 @!p0 $0x9D00  }
0x113: {  	[tilespmem:s21], [sflag:$0x2] =	stream.indirect_vreg.gather @!p0 [hbm4b:s11+s4], $0x80, v3, vm1, $0xb8;
	[tilespmem:$0x16D80] =	vst v63  }
0x114: {  	s21 =	simm.s32 @!p0 $0xA500  }
0x115: {  	[tilespmem:s21], [sflag:$0x2] =	stream.indirect_vreg.gather @!p0 [hbm4b:s12+s4], $0x80, v3, vm1, $0xb8;
	[tilespmem:$0x16D80] =	vst v63  }
0x116: {  	s21 =	simm.s32 @!p0 $0xAD00  }
0x117: {  	[tilespmem:s21], [sflag:$0x2] =	stream.indirect_vreg.gather @!p0 [hbm4b:s13+s4], $0x80, v3, vm1, $0xb8;
	[tilespmem:$0x16D80] =	vst v63  }
0x118: {  	s21 =	simm.s32 @!p0 $0xB500  }
0x119: {  	[tilespmem:s21], [sflag:$0x2] =	stream.indirect_vreg.gather @!p0 [hbm4b:s14+s4], $0x80, v3, vm1, $0xb8;
	[tilespmem:$0x16D80] =	vst v63  }
0x11a: {  	s4 =	simm.s32 $0x0;
	_ =	swait.ge [sflag:s19], $0x5800  }
0x11b: {  	s25 =	sand.u32 $0x60, s4;
	s22 =	sand.u32 $0x7C00, s4;
	[sflag:s19] =	ssyncset.done $0x0  }
0x11c: {  	s21 =	sor.u32 s25, s22;
	[sflag:s19] =	ssyncadd.s32 $0xFFFFA800  }
0x11d: {  	v3 =	vld [tilespmem:s21+$0xBD10]  }
0x11e: {  	v5 =	vld [tilespmem:s21+$0xBD90]  }
0x11f: {  	v4 =	vadd.f32 v4, v8;
	v20 =	vadd.f32 v21, v20;
	v8 =	vld [tilespmem:s21+$0xBE10]  }
0x120: {  	v21 =	vadd.f32 v2, v19;
	v28 =	vadd.f32 v11, v18;
	v11 =	vld [tilespmem:s21+$0xBE90]  }
0x121: {  	v18 =	vadd.f32 v10, v4;
	v19 =	vadd.f32 v12, v20;
	v2 =	vld [tilespmem:s21+$0xBF10]  }
0x122: {  	v12 =	vadd.f32 v9, v21;
	v10 =	vadd.f32 v23, v13;
	v4 =	vld [tilespmem:s21+$0xBF90]  }
0x123: {  	v20 =	vadd.f32 v25, v17;
	v9 =	vadd.f32 v22, v15;
	v15 =	vld [tilespmem:s21+$0xBD00]  }
0x124: {  	v14 =	vadd.f32 v14, v28;
	v13 =	vadd.f32 v24, v16;
	v17 =	vld [tilespmem:s21+$0xBD80]  }
0x125: {  	v7 =	vadd.f32 v7, v10;
	v10 =	vadd.f32 v27, v20;
	s26 =	sand.u32 $0x3, s4;
	v16 =	vld [tilespmem:s21+$0xBE00]  }
0x126: {  	s23 =	simm.s32 $0x0;
	v6 =	vadd.f32 v6, v9;
	v9 =	vadd.f32 v26, v13;
	s24 =	sshll.u32 s26, $0x5;
	s22 =	simm.s32 $0x20;
	v20 =	vld [tilespmem:s21+$0xBE80]  }
.LBB2_7:
0x127: {  	p1 =	sne.s32 s22, $0xAE0;
	s24 =	sadd.s32 s24, s4;
	v13 =	vld [tilespmem:s21+$0xBF00]  }
0x128: {  	v21 =	vld [tilespmem:s21+$0xBF80];
	s21 =	sor.u32 $0x300, s24  }
0x129: {  	v22 =	vld [tilespmem:s21+$0xBD00];
	s21 =	sor.u32 $0x380, s24;
	s24 =	sadd.s32 $0x10, s24  }
0x12a: {  	s4 =	sadd.s32 $0x100, s4;
	v15 =	vadd.f32 v15, v18;
	v17 =	vadd.f32 v17, v19;
	v23 =	vld [tilespmem:s21+$0xBD00];
	s21 =	sor.u32 $0x300, s24  }
0x12b: {  	s25 =	sand.u32 $0x60, s22;
	s26 =	sand.u32 $0x7C00, s4;
	v12 =	vadd.f32 v16, v12;
	s24 =	sor.u32 $0x380, s24;
	v14 =	vadd.f32 v20, v14;
	v16 =	vld [tilespmem:s21+$0xBD00]  }
0x12c: {  	v18 =	vadd.f32 v3, v15;
	s21 =	sor.u32 s25, s26;
	v19 =	vadd.f32 v5, v17;
	v15 =	vld [tilespmem:s24+$0xBD00]  }
0x12d: {  	v12 =	vadd.f32 v8, v12;
	v3 =	vld [tilespmem:s21+$0xBD10];
	v14 =	vadd.f32 v11, v14  }
0x12e: {  	v6 =	vadd.f32 v13, v6;
	v7 =	vadd.f32 v21, v7;
	v5 =	vld [tilespmem:s21+$0xBD90]  }
0x12f: {  	v9 =	vadd.f32 v22, v9;
	v8 =	vld [tilespmem:s21+$0xBE10];
	v10 =	vadd.f32 v23, v10  }
0x130: {  	v6 =	vadd.f32 v2, v6;
	v7 =	vadd.f32 v4, v7;
	v11 =	vld [tilespmem:s21+$0xBE90]  }
0x131: {  	v9 =	vadd.f32 v16, v9;
	v2 =	vld [tilespmem:s21+$0xBF10];
	v10 =	vadd.f32 v15, v10  }
.Ltmp4:
0x132: {  	v4 =	vld [tilespmem:s21+$0xBF90];
	(pc) =	sbr.rel @p1 .LBB2_7-.Ltmp4, $4  }
0x133: {  	v15 =	vld [tilespmem:s21+$0xBD00]  }
0x134: {  	s23 =	sadd.s32 $0x1, s23;
	v17 =	vld [tilespmem:s21+$0xBD80]  }
0x135: {  	s24 =	sand.u32 $0x3, s23;
	v16 =	vld [tilespmem:s21+$0xBE00]  }
0x136: {  	s22 =	sadd.s32 $0x20, s22;
	s24 =	sshll.u32 s24, $0x5;
	v20 =	vld [tilespmem:s21+$0xBE80]  }
0x137: {  	v13 =	vld.msk @!p0 [tilespmem:s17+$0x30], $0xff;
	_ =	sdelay $0x4  }
0x138: {  	v21 =	vshrl.u32 @!p0 v13, $0x3  }
0x139: {  	v21 =	vmul.u32 @!p0 $0xB0, v21  }
0x13a: {  	v22 =	vlaneseq.u32 @!p0;
	v13 =	vand.u32 @!p0 $0x7, v13  }
0x13b: {  	v13 =	vor.u32 @!p0 v13, v21;
	v21 =	vand.u32 @!p0 $0x7, v22;
	v22 =	vshrl.u32 @!p0 v22, $0x3  }
0x13c: {  	v13 =	vperm.xlane @!p0 v13, v21;
	v21 =	vmul.u32 @!p0 $0x8, v22  }
0x13d: {  	s4 =	sadd.s32 s24, s4  }
0x13e: {  	v23 =	vld [tilespmem:s21+$0xBF80];
	s22 =	sor.u32 $0x380, s4;
	v13 =	vadd.s32 @!p0 v21, v13  }
0x13f: {  	v25 =	vld [tilespmem:s22+$0xBD00]  }
0x140: {  	v22 =	vld [tilespmem:s21+$0xBF00];
	s21 =	sor.u32 $0x300, s4;
	s4 =	sadd.s32 $0x10, s4  }
0x141: {  	v24 =	vld [tilespmem:s21+$0xBD00];
	s23 =	sor.u32 $0x300, s4;
	s4 =	sor.u32 $0x380, s4  }
0x142: {  	s17 =	simm.s32 @!p0 $0xBD00;
	v27 =	vld [tilespmem:s4+$0xBD00];
	s4 =	simm.s32 @!p0 $0x0  }
0x143: {  	v26 =	vld [tilespmem:s23+$0xBD00];
	[tilespmem:s17], [sflag:$0x3] =	stream.indirect_vreg.gather @!p0 [hbm4b:s2+s4], $0x80, v13, vm1, $0xb8  }
0x144: {  	s17 =	simm.s32 @!p0 $0xC500  }
0x145: {  	[tilespmem:s17], [sflag:$0x3] =	stream.indirect_vreg.gather @!p0 [hbm4b:s5+s4], $0x80, v13, vm1, $0xb8;
	[tilespmem:$0x16D80] =	vst v63  }
0x146: {  	s17 =	simm.s32 @!p0 $0xCD00  }
0x147: {  	[tilespmem:s17], [sflag:$0x3] =	stream.indirect_vreg.gather @!p0 [hbm4b:s6+s4], $0x80, v13, vm1, $0xb8;
	[tilespmem:$0x16D80] =	vst v63  }
0x148: {  	s17 =	simm.s32 @!p0 $0xD500  }
0x149: {  	[tilespmem:s17], [sflag:$0x3] =	stream.indirect_vreg.gather @!p0 [hbm4b:s7+s4], $0x80, v13, vm1, $0xb8;
	[tilespmem:$0x16D80] =	vst v63  }
0x14a: {  	s17 =	simm.s32 @!p0 $0xDD00  }
0x14b: {  	[tilespmem:s17], [sflag:$0x3] =	stream.indirect_vreg.gather @!p0 [hbm4b:s8+s4], $0x80, v13, vm1, $0xb8;
	[tilespmem:$0x16D80] =	vst v63  }
0x14c: {  	s17 =	simm.s32 @!p0 $0xE500  }
0x14d: {  	[tilespmem:s17], [sflag:$0x3] =	stream.indirect_vreg.gather @!p0 [hbm4b:s9+s4], $0x80, v13, vm1, $0xb8;
	[tilespmem:$0x16D80] =	vst v63  }
0x14e: {  	s17 =	simm.s32 @!p0 $0xED00  }
0x14f: {  	[tilespmem:s17], [sflag:$0x3] =	stream.indirect_vreg.gather @!p0 [hbm4b:s10+s4], $0x80, v13, vm1, $0xb8;
	[tilespmem:$0x16D80] =	vst v63  }
0x150: {  	s17 =	simm.s32 @!p0 $0xF500  }
0x151: {  	[tilespmem:s17], [sflag:$0x3] =	stream.indirect_vreg.gather @!p0 [hbm4b:s11+s4], $0x80, v13, vm1, $0xb8;
	[tilespmem:$0x16D80] =	vst v63  }
0x152: {  	s17 =	simm.s32 @!p0 $0xFD00  }
0x153: {  	[tilespmem:s17], [sflag:$0x3] =	stream.indirect_vreg.gather @!p0 [hbm4b:s12+s4], $0x80, v13, vm1, $0xb8;
	[tilespmem:$0x16D80] =	vst v63  }
0x154: {  	s17 =	simm.s32 @!p0 $0x10500  }
0x155: {  	[tilespmem:s17], [sflag:$0x3] =	stream.indirect_vreg.gather @!p0 [hbm4b:s13+s4], $0x80, v13, vm1, $0xb8;
	[tilespmem:$0x16D80] =	vst v63  }
0x156: {  	s17 =	simm.s32 @!p0 $0x10D00  }
0x157: {  	[tilespmem:s17], [sflag:$0x3] =	stream.indirect_vreg.gather @!p0 [hbm4b:s14+s4], $0x80, v13, vm1, $0xb8;
	[tilespmem:$0x16D80] =	vst v63  }
0x158: {  	s4 =	simm.s32 $0x0;
	_ =	swait.ge [sflag:s20], $0x5800  }
0x159: {  	s24 =	sand.u32 $0x60, s4;
	s25 =	sand.u32 $0x7C00, s4;
	[sflag:s20] =	ssyncset.done $0x0  }
0x15a: {  	s21 =	sor.u32 s24, s25;
	[sflag:s20] =	ssyncadd.s32 $0xFFFFA800  }
0x15b: {  	s17 =	sadd.s32 $0x11500, s21;
	v21 =	vld [tilespmem:s21+$0x11500]  }
0x15c: {  	v13 =	vld [tilespmem:s17+$0x10]  }
0x15d: {  	v18 =	vadd.f32 v15, v18;
	v19 =	vadd.f32 v17, v19;
	v15 =	vld [tilespmem:s17+$0x90]  }
0x15e: {  	v16 =	vadd.f32 v16, v12;
	v14 =	vadd.f32 v20, v14;
	v12 =	vld [tilespmem:s17+$0x110]  }
0x15f: {  	v17 =	vadd.f32 v3, v18;
	v18 =	vadd.f32 v5, v19;
	v5 =	vld [tilespmem:s17+$0x190]  }
0x160: {  	v8 =	vadd.f32 v8, v16;
	v16 =	vadd.f32 v11, v14;
	v3 =	vld [tilespmem:s17+$0x210]  }
0x161: {  	v14 =	vadd.f32 v23, v7;
	v6 =	vadd.f32 v22, v6;
	v11 =	vld [tilespmem:s17+$0x290]  }
0x162: {  	v19 =	vadd.f32 v25, v10;
	v9 =	vadd.f32 v24, v9;
	v7 =	vld [tilespmem:s17+$0x80]  }
0x163: {  	v4 =	vadd.f32 v4, v14;
	v2 =	vadd.f32 v2, v6;
	s26 =	sand.u32 $0x3, s4;
	v6 =	vld [tilespmem:s17+$0x100]  }
0x164: {  	s22 =	simm.s32 $0x0;
	v14 =	vadd.f32 v27, v19;
	v10 =	vadd.f32 v26, v9;
	s23 =	sshll.u32 s26, $0x5;
	v9 =	vld [tilespmem:s17+$0x180];
	s21 =	simm.s32 $0x20  }
.LBB2_9:
0x165: {  	p1 =	sne.s32 s21, $0xAE0;
	s23 =	sadd.s32 s23, s4;
	v19 =	vld [tilespmem:s17+$0x200]  }
0x166: {  	v20 =	vld [tilespmem:s17+$0x280];
	s17 =	sor.u32 $0x300, s23  }
0x167: {  	v22 =	vld [tilespmem:s17+$0x11500];
	s17 =	sor.u32 $0x380, s23;
	s23 =	sadd.s32 $0x10, s23  }
0x168: {  	v17 =	vadd.f32 v21, v17;
	s4 =	sadd.s32 $0x100, s4;
	v7 =	vadd.f32 v7, v18;
	v23 =	vld [tilespmem:s17+$0x11500];
	s17 =	sor.u32 $0x300, s23  }
0x169: {  	s24 =	sand.u32 $0x60, s21;
	s25 =	sand.u32 $0x7C00, s4;
	v6 =	vadd.f32 v6, v8;
	v9 =	vadd.f32 v9, v16;
	v24 =	vld [tilespmem:s17+$0x11500];
	s17 =	sor.u32 $0x380, s23  }
0x16a: {  	v17 =	vadd.f32 v13, v17;
	s23 =	sor.u32 s24, s25;
	v18 =	vadd.f32 v15, v7;
	v7 =	vld [tilespmem:s17+$0x11500]  }
0x16b: {  	s17 =	sadd.s32 $0x11500, s23;
	v8 =	vadd.f32 v12, v6;
	v21 =	vld [tilespmem:s23+$0x11500];
	v16 =	vadd.f32 v5, v9  }
0x16c: {  	v2 =	vadd.f32 v19, v2;
	v4 =	vadd.f32 v20, v4;
	v13 =	vld [tilespmem:s17+$0x10]  }
0x16d: {  	v6 =	vadd.f32 v22, v10;
	v15 =	vld [tilespmem:s17+$0x90];
	v9 =	vadd.f32 v23, v14  }
0x16e: {  	v2 =	vadd.f32 v3, v2;
	v4 =	vadd.f32 v11, v4;
	v12 =	vld [tilespmem:s17+$0x110]  }
0x16f: {  	v10 =	vadd.f32 v24, v6;
	v5 =	vld [tilespmem:s17+$0x190];
	v14 =	vadd.f32 v7, v9  }
.Ltmp5:
0x170: {  	v3 =	vld [tilespmem:s17+$0x210];
	(pc) =	sbr.rel @p1 .LBB2_9-.Ltmp5, $4  }
0x171: {  	v11 =	vld [tilespmem:s17+$0x290]  }
0x172: {  	s22 =	sadd.s32 $0x1, s22;
	v7 =	vld [tilespmem:s17+$0x80]  }
0x173: {  	s23 =	sand.u32 $0x3, s22;
	v6 =	vld [tilespmem:s17+$0x100]  }
0x174: {  	s21 =	sadd.s32 $0x20, s21;
	s23 =	sshll.u32 s23, $0x5;
	v9 =	vld [tilespmem:s17+$0x180]  }
0x175: {  	s4 =	sadd.s32 s23, s4;
	v19 =	vld [tilespmem:s17+$0x200]  }
0x176: {  	v20 =	vld [tilespmem:s17+$0x280];
	s24 =	sor.u32 $0x300, s4  }
0x177: {  	s25 =	sor.u32 $0x380, s4;
	s4 =	sadd.s32 $0x10, s4;
	v22 =	vld [tilespmem:s24+$0x11500]  }
0x178: {  	v17 =	vadd.f32 v21, v17;
	v7 =	vadd.f32 v7, v18;
	v60 =	vld [tilespmem:s25+$0x11500];
	s26 =	sor.u32 $0x300, s4  }
0x179: {  	s4 =	sor.u32 $0x380, s4;
	v6 =	vadd.f32 v6, v8;
	v61 =	vld [tilespmem:s26+$0x11500];
	v16 =	vadd.f32 v9, v16  }
0x17a: {  	v62 =	vld [tilespmem:s4+$0x11500];
	v9 =	vadd.f32 v13, v17;
	v8 =	vadd.f32 v15, v7  }
.Ltmp6:
0x17b: {  	v7 =	vadd.f32 v12, v6;
	v2 =	vadd.f32 v19, v2;
	(pc) =	sbr.rel @p0 .LBB2_12-.Ltmp6, $4  }
0x17c: {  	v4 =	vadd.f32 v20, v4;
	v6 =	vadd.f32 v5, v16  }
0x17d: {  	v10 =	vadd.f32 v22, v10;
	v63 =	vadd.f32 v60, v14  }
0x17e: {  	v5 =	vadd.f32 v3, v2;
	v4 =	vadd.f32 v11, v4  }
0x17f: {  	v3 =	vadd.f32 v61, v10;
	v2 =	vadd.f32 v62, v63  }
0x180: {  	s4 =	sshrl.u32 s16, $0x2  }
0x181: {  	v10 =	vld.msk [tilespmem:s4+$0x38], $0xff;
	_ =	sdelay $0x4  }
0x182: {  	v11 =	vshrl.u32 v10, $0x3  }
0x183: {  	v11 =	vmul.u32 $0xB0, v11  }
0x184: {  	v10 =	vand.u32 $0x7, v10  }
0x185: {  	v10 =	vor.u32 v10, v11  }
0x186: {  	v10 =	vperm.xlane v10, v0;
	_ =	sdelay $0x1  }
0x187: {  	v10 =	vadd.s32 v1, v10;
	_ =	sdelay $0x3  }
0x188: {  	s21 =	simm.s32 $0x11500  }
0x189: {  	[tilespmem:s21], [sflag:$0x4] =	stream.indirect_vreg.gather [hbm4b:s2+s3], $0x80, v10, vm0, $0xb8;
	[tilespmem:$0x16D80] =	vst v63  }
0x18a: {  	s22 =	simm.s32 $0x11D00  }
0x18b: {  	[tilespmem:s22], [sflag:$0x4] =	stream.indirect_vreg.gather [hbm4b:s5+s3], $0x80, v10, vm0, $0xb8;
	[tilespmem:$0x16D80] =	vst v63  }
0x18c: {  	s23 =	simm.s32 $0x12500  }
0x18d: {  	[tilespmem:s23], [sflag:$0x4] =	stream.indirect_vreg.gather [hbm4b:s6+s3], $0x80, v10, vm0, $0xb8;
	[tilespmem:$0x16D80] =	vst v63  }
0x18e: {  	s24 =	simm.s32 $0x12D00  }
0x18f: {  	[tilespmem:s24], [sflag:$0x4] =	stream.indirect_vreg.gather [hbm4b:s7+s3], $0x80, v10, vm0, $0xb8;
	[tilespmem:$0x16D80] =	vst v63  }
0x190: {  	s25 =	simm.s32 $0x13500  }
0x191: {  	[tilespmem:s25], [sflag:$0x4] =	stream.indirect_vreg.gather [hbm4b:s8+s3], $0x80, v10, vm0, $0xb8;
	[tilespmem:$0x16D80] =	vst v63  }
0x192: {  	s26 =	simm.s32 $0x13D00  }
0x193: {  	[tilespmem:s26], [sflag:$0x4] =	stream.indirect_vreg.gather [hbm4b:s9+s3], $0x80, v10, vm0, $0xb8;
	[tilespmem:$0x16D80] =	vst v63  }
0x194: {  	_ = 	snop  }
0x195: {  	[tilespmem:s28], [sflag:$0x4] =	stream.indirect_vreg.gather [hbm4b:s10+s3], $0x80, v10, vm0, $0xb8;
	[tilespmem:$0x16D80] =	vst v63  }
0x196: {  	_ = 	snop  }
0x197: {  	[tilespmem:s29], [sflag:$0x4] =	stream.indirect_vreg.gather [hbm4b:s11+s3], $0x80, v10, vm0, $0xb8;
	[tilespmem:$0x16D80] =	vst v63  }
0x198: {  	_ = 	snop  }
0x199: {  	[tilespmem:s30], [sflag:$0x4] =	stream.indirect_vreg.gather [hbm4b:s12+s3], $0x80, v10, vm0, $0xb8;
	[tilespmem:$0x16D80] =	vst v63  }
.Ltmp7:
0x19a: {  	_ = 	snop;
	(pc) =	sbr.rel .LBB2_2-.Ltmp7, $4  }
0x19b: {  	_ = 	snop  }
0x19c: {  	[tilespmem:s31], [sflag:$0x4] =	stream.indirect_vreg.gather [hbm4b:s13+s3], $0x80, v10, vm0, $0xb8;
	[tilespmem:$0x16D80] =	vst v63  }
0x19d: {  	s15 =	sadd.s32 $0x1, s15  }
0x19e: {  	[tilespmem:s1], [sflag:$0x4] =	stream.indirect_vreg.gather [hbm4b:s14+s3], $0x80, v10, vm0, $0xb8;
	[tilespmem:$0x16D80] =	vst v63  }
.LBB2_13:
0x19f: {  	_ =	sfence.sel $0x180000  }
0x1a0: {  	[bflag:$0x0] =	sbarrier.arrive $0xFFFF  }
0x1a1: {  	_ =	strace $0x90000047  }
0x1a2: {  	s0 =	stileid.u32;
	[bflag:$0x2] =	sbarrier.arrive $0xFFFF  }
0x1a3: {  	p0 =	sne.s32 s0, $0x0;
	s0 =	rddreg [dreg:$0x2]  }
0x1a4: {  	s0 =	sadd.s32 @!p0 $0x100000, s0  }
0x1a5: {  	[sflag:s0] =	ssyncadd.tile.s32 @!p0 $0x1;
	_ =	shalt  }
.Lfunc_end2:
_tile_overlayer_lowered:
.L_overlay_start_2:
0x1a6: {  	(tag) =	ssettag $0x2  }
0x1a7: {  	s0 =	rddreg [dreg:$0x0];
	s2 =	stileid.u32  }
0x1a8: {  	s1 =	rddreg [dreg:$0x1];
	p0 =	sne.s32 s2, $0x0  }
0x1a9: {  	s3 =	rddreg [dreg:$0x2];
	[bflag:$0x3] =	sbarrier.arrive $0xFFFF;
	s2 =	simm.s32 @!p0 $0x1C05  }
0x1aa: {  	[timem:s3], [sflag:s2] =	dma.local @!p0 [hbm:s0], s1  }
0x1ab: {  	s0 =	simm.s32 @!p0 $0x5  }
0x1ac: {  	_ =	swait.ge @!p0 [sflag:s0], s1  }
0x1ad: {  	s1 =	ssub.s32 @!p0 $0x0, s1;
	[sflag:s0] =	ssyncset.done @!p0 $0x0  }
0x1ae: {  	[sflag:s0] =	ssyncadd.s32 @!p0 s1  }
0x1af: {  	[bflag:$0x3] =	sbarrier.arrive $0xFFFF  }
0x1b0: {  	_ =	shalt  }

</sc_bundles>
